<compile_context>
chip_gen: v7x
topology: tpu7x:2x2x1
jax: 0.10.2.dev20260603
libtpu: 0.0.44.dev20260713+nightly
codegen_flags: <defaults>
</compile_context>

<pallas_src>
import numpy as np
import jax
import jax.numpy as jnp
from jax import lax
from jax.experimental import pallas as pl
from jax.experimental.pallas import tpu as pltpu
from jax.experimental.pallas import tpu_sc as plsc

M2 = 5120
B = 512
NB = M2 // B
NW = 32


def _pre_body(ct_ref, o_ref, st_ref, co_ref, sc_ref, lb_ref, ky_ref):
    x = ct_ref[0, 0:1, :]
    y = ct_ref[0, 1:2, :]
    w = ct_ref[0, 2:3, :]
    h = ct_ref[0, 3:4, :]
    one = jnp.float32(1.0)
    zero = jnp.float32(0.0)
    x1 = jnp.clip(x, zero, one)
    y1 = jnp.clip(y, zero, one)
    x2 = jnp.clip(x + w, zero, one)
    y2 = jnp.clip(y + h, zero, one)
    co_ref[0, 0:1, :] = x1
    co_ref[0, 1:2, :] = y1
    co_ref[0, 2:3, :] = x2
    co_ref[0, 3:4, :] = y2
    C = st_ref.shape[1]
    best = st_ref[0, 0:1, :]
    bi = jnp.zeros(best.shape, jnp.int32)
    for c in range(1, C):
        s = st_ref[0, c : c + 1, :]
        gt = s > best
        best = jnp.where(gt, s, best)
        bi = jnp.where(gt, jnp.int32(c), bi)
    sc_ref[0] = best
    lb_ref[0] = bi
    valid = o_ref[0] >= jnp.float32(0.5)
    ky_ref[0] = jnp.where(valid, -best, jnp.float32(jnp.inf))


def _iou_mat(x1c, y1c, x2c, y2c, ac, x1r, y1r, x2r, y2r, ar):
    xx1 = jnp.maximum(x1c, x1r)
    yy1 = jnp.maximum(y1c, y1r)
    xx2 = jnp.minimum(x2c, x2r)
    yy2 = jnp.minimum(y2c, y2r)
    w = jnp.maximum(jnp.float32(0.0), xx2 - xx1)
    h = jnp.maximum(jnp.float32(0.0), yy2 - yy1)
    inter = w * h
    return inter / (ac + ar - inter + jnp.float32(1e-12))


def _nms_body(x1c, y1c, x2c, y2c, x1r, y1r, x2r, y2r, vr, t_ref,
              kept_ref, sup_ref):
    t = t_ref[...]
    sup_ref[...] = jnp.zeros((1, M2), jnp.float32)
    kept_ref[...] = jnp.zeros((1, 1, M2), jnp.float32)
    nvalid = jnp.sum(vr[...]).astype(jnp.int32)
    nb_eff = (nvalid + (B - 1)) // B
    tri = (
        lax.broadcasted_iota(jnp.int32, (B, B), 0)
        < lax.broadcasted_iota(jnp.int32, (B, B), 1)
    ).astype(jnp.float32)

    def blk(k, carry):
        rb = pl.ds(pl.multiple_of(k * B, B), B)
        X1 = x1c[0, rb, :]
        Y1 = y1c[0, rb, :]
        X2 = x2c[0, rb, :]
        Y2 = y2c[0, rb, :]
        AC = (X2 - X1) * (Y2 - Y1)
        x1rb = x1r[0, :, rb]
        y1rb = y1r[0, :, rb]
        x2rb = x2r[0, :, rb]
        y2rb = y2r[0, :, rb]
        AR = (x2rb - x1rb) * (y2rb - y1rb)
        iou = _iou_mat(X1, Y1, X2, Y2, AC, x1rb, y1rb, x2rb, y2rb, AR)
        At = ((iou > t).astype(jnp.float32) * tri).astype(jnp.bfloat16)
        cand = vr[0, :, rb] * (sup_ref[:, rb] < jnp.float32(0.5)).astype(jnp.float32)

        def cond(s):
            return s[1]

        def fbody(s):
            kp, _ = s
            supv = jnp.dot(kp.astype(jnp.bfloat16), At,
                           preferred_element_type=jnp.float32)
            new = cand * (supv < jnp.float32(0.5)).astype(jnp.float32)
            return (new, jnp.any(new != kp))

        keep, _ = lax.while_loop(cond, fbody, (cand, True))
        kept_ref[0, :, rb] = keep
        keep16 = keep.astype(jnp.bfloat16)

        def cblk(c, carry2):
            rc = pl.ds(pl.multiple_of(c * B, B), B)
            x1rc = x1r[0, :, rc]
            y1rc = y1r[0, :, rc]
            x2rc = x2r[0, :, rc]
            y2rc = y2r[0, :, rc]
            ARc = (x2rc - x1rc) * (y2rc - y1rc)
            iou2 = _iou_mat(X1, Y1, X2, Y2, AC, x1rc, y1rc, x2rc, y2rc, ARc)
            supv = jnp.dot(keep16, (iou2 > t).astype(jnp.bfloat16),
                           preferred_element_type=jnp.float32)
            sup_ref[:, rc] = jnp.maximum(sup_ref[:, rc], jnp.minimum(supv, 1.0))
            return carry2

        lax.fori_loop(k + 1, nb_eff, cblk, 0)
        return carry

    lax.fori_loop(0, nb_eff, blk, 0)


_SC_CHUNK = 4 * M2 // NW
_SC_KR = _SC_CHUNK // 128
_OUT_ROWS = 20224


def _sc_gather_body(table_hbm, idx_hbm, out_hbm, vals_v, idx_v, sem):
    c = lax.axis_index("c")
    s = lax.axis_index("s")
    wid = s * 2 + c
    base = wid * _SC_CHUNK
    pltpu.sync_copy(idx_hbm.at[wid], idx_v)
    copies = [
        pltpu.async_copy(
            table_hbm.at[idx_v.at[j]], vals_v.at[pl.ds(j * 128, 128)], sem
        )
        for j in range(_SC_KR)
    ]
    for cp in copies:
        cp.wait()
    pltpu.sync_copy(vals_v, out_hbm.at[pl.ds(base, _SC_CHUNK)])


def _sc_gather(table, idx):
    mesh = plsc.VectorSubcoreMesh(core_axis_name="c", subcore_axis_name="s")
    return pl.kernel(
        _sc_gather_body,
        mesh=mesh,
        out_type=jax.ShapeDtypeStruct((4 * M2, 8), jnp.int32),
        scratch_types=[
            pltpu.VMEM((_SC_CHUNK, 8), jnp.int32),
            pltpu.VMEM((_SC_KR, 128), jnp.int32),
            pltpu.SemaphoreType.DMA,
        ],
        compiler_params=pltpu.CompilerParams(use_tc_tiling_on_sc=False),
    )(table, idx)


def _sc_scatter_body(vals_hbm, idx_hbm, out_hbm, vals_v, idx_v, sem):
    c = lax.axis_index("c")
    s = lax.axis_index("s")
    wid = s * 2 + c
    base = wid * _SC_CHUNK
    pltpu.sync_copy(vals_hbm.at[pl.ds(base, _SC_CHUNK)], vals_v)
    pltpu.sync_copy(idx_hbm.at[wid], idx_v)
    copies = [
        pltpu.async_copy(
            vals_v.at[pl.ds(j * 128, 128)], out_hbm.at[idx_v.at[j]], sem
        )
        for j in range(_SC_KR)
    ]
    for cp in copies:
        cp.wait()


def _sc_scatter(vals, idx):
    mesh = plsc.VectorSubcoreMesh(core_axis_name="c", subcore_axis_name="s")
    return pl.kernel(
        _sc_scatter_body,
        mesh=mesh,
        out_type=jax.ShapeDtypeStruct((_OUT_ROWS, 8), jnp.int32),
        scratch_types=[
            pltpu.VMEM((_SC_CHUNK, 8), jnp.int32),
            pltpu.VMEM((_SC_KR, 128), jnp.int32),
            pltpu.SemaphoreType.DMA,
        ],
        compiler_params=pltpu.CompilerParams(use_tc_tiling_on_sc=False),
    )(vals, idx)


def kernel(b_coords, b_o, b_scores, rpn_nms_thresh=0.7, box_score_thresh=0.05):
    label_dtype = jnp.asarray(np.zeros((), np.int64)).dtype
    N, M, C = b_scores.shape
    pad = M2 - M

    coords_t = jnp.pad(jnp.transpose(b_coords, (0, 2, 1)), ((0, 0), (0, 0), (0, pad)))
    o_p = jnp.pad(b_o, ((0, 0), (0, pad)))[:, None, :]
    scores_t = jnp.pad(jnp.transpose(b_scores, (0, 2, 1)), ((0, 0), (0, 0), (0, pad)))

    coords4, sc, lb, keys = pl.pallas_call(
        _pre_body,
        grid=(N,),
        in_specs=[
            pl.BlockSpec((1, 4, M2), lambda i: (i, 0, 0)),
            pl.BlockSpec((1, 1, M2), lambda i: (i, 0, 0)),
            pl.BlockSpec((1, C, M2), lambda i: (i, 0, 0)),
        ],
        out_specs=[
            pl.BlockSpec((1, 4, M2), lambda i: (i, 0, 0)),
            pl.BlockSpec((1, 1, M2), lambda i: (i, 0, 0)),
            pl.BlockSpec((1, 1, M2), lambda i: (i, 0, 0)),
            pl.BlockSpec((1, 1, M2), lambda i: (i, 0, 0)),
        ],
        out_shape=[
            jax.ShapeDtypeStruct((N, 4, M2), jnp.float32),
            jax.ShapeDtypeStruct((N, 1, M2), jnp.float32),
            jax.ShapeDtypeStruct((N, 1, M2), jnp.int32),
            jax.ShapeDtypeStruct((N, 1, M2), jnp.float32),
        ],
    )(coords_t, o_p, scores_t)

    order = jnp.argsort(keys[:, 0, :], axis=-1, stable=True)

    packed_u = jnp.concatenate(
        [
            lax.bitcast_convert_type(
                jnp.transpose(coords4, (0, 2, 1)), jnp.int32
            ),
            lax.bitcast_convert_type(sc[:, 0, :], jnp.int32)[..., None],
            lb[:, 0, :, None],
            jnp.zeros((N, M2, 2), jnp.int32),
        ],
        axis=-1,
    ).reshape(N * M2, 8)
    gidx = (order + (jnp.arange(N) * M2)[:, None]).astype(jnp.int32)
    packed_s = _sc_gather(packed_u, gidx.reshape(NW, _SC_KR, 128))
    packed_s = packed_s.reshape(N, M2, 8)

    coords_s = jnp.transpose(
        lax.bitcast_convert_type(packed_s[:, :, :4], jnp.float32), (0, 2, 1)
    )
    sc_s = lax.bitcast_convert_type(packed_s[:, :, 4], jnp.float32)
    lb_s = packed_s[:, :, 5]
    nval = jnp.sum(jnp.isfinite(keys[:, 0, :]), axis=-1, dtype=jnp.int32)
    valid_s = (
        jnp.arange(M2, dtype=jnp.int32)[None, :] < nval[:, None]
    ).astype(jnp.float32)[:, None, :]

    x1c = coords_s[:, 0, :, None]
    y1c = coords_s[:, 1, :, None]
    x2c = coords_s[:, 2, :, None]
    y2c = coords_s[:, 3, :, None]
    x1r = coords_s[:, 0:1, :]
    y1r = coords_s[:, 1:2, :]
    x2r = coords_s[:, 2:3, :]
    y2r = coords_s[:, 3:4, :]
    t_arr = jnp.asarray(rpn_nms_thresh, jnp.float32).reshape(1, 1)

    col_spec = pl.BlockSpec((1, M2, 1), lambda i: (i, 0, 0))
    row_spec = pl.BlockSpec((1, 1, M2), lambda i: (i, 0, 0))
    kept = pl.pallas_call(
        _nms_body,
        grid=(N,),
        in_specs=[col_spec] * 4
        + [row_spec] * 4
        + [row_spec, pl.BlockSpec((1, 1), lambda i: (0, 0))],
        out_specs=pl.BlockSpec((1, 1, M2), lambda i: (i, 0, 0)),
        out_shape=jax.ShapeDtypeStruct((N, 1, M2), jnp.float32),
        scratch_shapes=[pltpu.VMEM((1, M2), jnp.float32)],
    )(x1c, y1c, x2c, y2c, x1r, y1r, x2r, y2r, valid_s, t_arr)

    keptb = kept[:, 0, :] > jnp.float32(0.5)
    seli = (keptb & (sc_s >= box_score_thresh)).astype(jnp.int32)
    pos = jnp.cumsum(seli, axis=-1) - 1
    cnt = jnp.sum(seli, axis=-1, keepdims=True)
    rank_ns = jnp.cumsum(1 - seli, axis=-1) - 1
    tgt_in = jnp.where(seli == 1, pos, cnt + rank_ns)
    base = (jnp.arange(N) * M)[:, None]
    dump = jnp.int32(N * M)
    tgt_g = jnp.where(tgt_in < M, tgt_in + base, dump).astype(jnp.int32)
    idx_sc = tgt_g.reshape(NW, _SC_KR, 128)

    packed = jnp.where((seli == 1)[..., None], packed_s, 0).reshape(N * M2, 8)

    out_flat = _sc_scatter(packed, idx_sc)
    body = out_flat[: N * M]
    out_boxes = lax.bitcast_convert_type(body[:, :4], jnp.float32).reshape(N, M, 4)
    out_scores = lax.bitcast_convert_type(body[:, 4], jnp.float32).reshape(N, M)
    out_labels = body[:, 5].astype(label_dtype).reshape(N, M)
    counts = cnt[:, 0].astype(jnp.int32)
    return (out_boxes, out_scores, out_labels, counts)

# --- scband reference (transcript-rebuilt; emitter-appended) ---
"""Pipeline reference for scband-yolo-4569845203300 (READ-ONLY COPY).

The authoritative reference and input builder live on the scoring server;
editing this copy changes nothing except your own understanding.
"""

import jax, jax.numpy as jnp
import numpy as np


def setup_inputs(seed: int = 0):
    key = jax.random.key(seed)
    k1, k2, k3 = jax.random.split(key, 3)
    b_coords = jax.random.uniform(k1, (4, 5000, 4), dtype=jnp.float32)
    b_o = jax.random.uniform(k2, (4, 5000), dtype=jnp.float32)
    b_scores = jax.random.uniform(k3, (4, 5000, 80), dtype=jnp.float32)
    rpn_nms_thresh = jnp.asarray(0.7, dtype=jnp.float32)
    box_score_thresh = jnp.asarray(0.05, dtype=jnp.float32)
    return {
        "b_coords": b_coords,
        "b_o": b_o,
        "b_scores": b_scores,
        "rpn_nms_thresh": rpn_nms_thresh,
        "box_score_thresh": box_score_thresh,
    }


def _nms_np(boxes, scores, iou_threshold):
    # greedy NMS identical to torchvision.ops.nms (boxes in xyxy)
    x1, y1, x2, y2 = boxes[:, 0], boxes[:, 1], boxes[:, 2], boxes[:, 3]
    areas = (x2 - x1) * (y2 - y1)
    order = np.argsort(-scores, kind="stable")
    keep = []
    while order.size > 0:
        i = order[0]
        keep.append(i)
        rest = order[1:]
        xx1 = np.maximum(x1[i], x1[rest])
        yy1 = np.maximum(y1[i], y1[rest])
        xx2 = np.minimum(x2[i], x2[rest])
        yy2 = np.minimum(y2[i], y2[rest])
        w = np.maximum(0.0, xx2 - xx1)
        h = np.maximum(0.0, yy2 - yy1)
        inter = w * h
        iou = inter / (areas[i] + areas[rest] - inter + 1e-12)
        order = rest[iou <= iou_threshold]
    return np.asarray(keep, dtype=np.int64)


def _nms_fixed(boxes, scores, valid, iou_threshold):
    # greedy NMS over a fixed number of slots; invalid slots are never kept
    M = boxes.shape[0]
    order = jnp.argsort(jnp.where(valid, -scores, jnp.inf))
    b = boxes[order]
    v = valid[order]
    x1, y1, x2, y2 = b[:, 0], b[:, 1], b[:, 2], b[:, 3]
    areas = (x2 - x1) * (y2 - y1)
    idxs = jnp.arange(M)

    def body(i, suppressed):
        keep_i = v[i] & ~suppressed[i]
        xx1 = jnp.maximum(x1[i], x1)
        yy1 = jnp.maximum(y1[i], y1)
        xx2 = jnp.minimum(x2[i], x2)
        yy2 = jnp.minimum(y2[i], y2)
        w = jnp.maximum(0.0, xx2 - xx1)
        h = jnp.maximum(0.0, yy2 - yy1)
        inter = w * h
        iou = inter / (areas[i] + areas - inter + 1e-12)
        sup = keep_i & (iou > iou_threshold) & (idxs > i)
        return suppressed | sup

    suppressed = jax.lax.fori_loop(0, M, body, jnp.zeros((M,), bool))
    kept = v & ~suppressed
    return order, kept


def reference(b_coords, b_o, b_scores, rpn_nms_thresh=0.7, box_score_thresh=0.05):
    # Faithful translation of _YOLO.post_process.
    # Per-image variable-length detections are padded to M slots; `counts`
    # gives the number of valid detections per image.
    label_dtype = jnp.asarray(np.zeros((), np.int64)).dtype
    M = b_coords.shape[1]

    def per_image(coords_raw, o, sc, nms_t, score_t):
        valid = o >= 0.5
        labels = sc.argmax(-1)
        scores = sc.max(-1)
        coords = jnp.concatenate(
            [coords_raw[:, :2], coords_raw[:, 2:] + coords_raw[:, :2]], axis=1
        )
        coords = jnp.clip(coords, 0.0, 1.0)
        order, kept = _nms_fixed(coords, scores, valid, nms_t)
        boxes_s = coords[order]
        scores_s = scores[order]
        labels_s = labels[order]
        sel = kept & (scores_s >= score_t)
        pos = jnp.cumsum(sel) - 1
        tgt = jnp.where(sel, pos, M)
        ob = jnp.zeros((M, 4), jnp.float32).at[tgt].set(boxes_s, mode="drop")
        osc = jnp.zeros((M,), jnp.float32).at[tgt].set(scores_s, mode="drop")
        ol = (
            jnp.zeros((M,), label_dtype)
            .at[tgt]
            .set(labels_s.astype(label_dtype), mode="drop")
        )
        cnt = jnp.sum(sel).astype(jnp.int32)
        return ob, osc, ol, cnt

    out_boxes, out_scores, out_labels, counts = jax.vmap(
        per_image, in_axes=(0, 0, 0, None, None)
    )(b_coords, b_o, b_scores, rpn_nms_thresh, box_score_thresh)
    return (out_boxes, out_scores, out_labels, counts)

if __name__ == "__main__":
    import jax
    _d = setup_inputs()
    print(jax.jit(kernel)(*tuple(_d.values())))

</pallas_src>

<mosaic_0001>
#map = affine_map<(d0, d1) -> (0, 0)>
#map1 = affine_map<(d0, d1) -> (0, 0, 0)>
module attributes {stable_mosaic.version = 14 : i64} {
  func.func @_sc_gather_body(%arg0: i32, %arg1: i32, %arg2: memref<20480x8xi32, #tpu.memory_space<hbm>>, %arg3: memref<32x5x128xi32, #tpu.memory_space<hbm>>, %arg4: memref<20480x8xi32, #tpu.memory_space<hbm>>, %arg5: memref<640x8xi32, #tpu.memory_space<vmem>>, %arg6: memref<5x128xi32, #tpu.memory_space<vmem>>, %arg7: memref<!tpu.dma_semaphore, #tpu.memory_space<semaphore_mem>>) attributes {dimension_semantics = [#tpu.dimension_semantics<core_parallel>, #tpu.dimension_semantics<subcore_parallel>], iteration_bounds = array<i64: 2, 16>, scalar_prefetch = 0 : i64, scratch_operands = 3 : i64, tpu.core_type = #tpu.core_type<sc_vector_subcore>, window_params = [{transform_indices = #map}, {transform_indices = #map1}, {transform_indices = #map}]} {
    %mul3A = arith.constant 2 : i32
    %mul3A_0 = arith.muli %arg1, %mul3A : i32
    %add3A = arith.addi %mul3A_0, %arg0 : i32
    %mul3A_1 = arith.constant 640 : i32
    %mul3A_2 = arith.muli %add3A, %mul3A_1 : i32
    "tpu.region"() ({
      %run_scoped3A = tpu.sem_alloc : memref<!tpu.dma_semaphore, #tpu.memory_space<semaphore_mem>>
      %dma_start3A_101 = arith.constant 0 : i32
      %dma_start3A_102 = arith.constant 0 : i32
      %dma_start3A_103 = tpu.memref_slice %arg3[%add3A, %dma_start3A_101, %dma_start3A_102] : memref<32x5x128xi32, #tpu.memory_space<hbm>> -> memref<1x5x128xi32, #tpu.memory_space<hbm>>
      %dma_start3A_104 = tpu.memref_squeeze %dma_start3A_103 : memref<1x5x128xi32, #tpu.memory_space<hbm>> -> memref<5x128xi32, #tpu.memory_space<hbm>>
      %dma_start3A_105 = arith.constant 0 : i32
      %dma_start3A_106 = arith.constant 0 : i32
      %dma_start3A_107 = tpu.memref_slice %arg3[%add3A, %dma_start3A_105, %dma_start3A_106] : memref<32x5x128xi32, #tpu.memory_space<hbm>> -> memref<1x5x128xi32, #tpu.memory_space<hbm>>
      %dma_start3A_108 = tpu.memref_squeeze %dma_start3A_107 : memref<1x5x128xi32, #tpu.memory_space<hbm>> -> memref<5x128xi32, #tpu.memory_space<hbm>>
      tpu.enqueue_dma source(%dma_start3A_108 : memref<5x128xi32, #tpu.memory_space<hbm>>) target(%arg6 : memref<5x128xi32, #tpu.memory_space<vmem>>) target_semaphore(%run_scoped3A : memref<!tpu.dma_semaphore, #tpu.memory_space<semaphore_mem>>)
      %dma_wait3A_109 = arith.constant 0 : i32
      %dma_wait3A_110 = arith.constant 0 : i32
      %dma_wait3A_111 = tpu.memref_slice %arg3[%add3A, %dma_wait3A_109, %dma_wait3A_110] : memref<32x5x128xi32, #tpu.memory_space<hbm>> -> memref<1x5x128xi32, #tpu.memory_space<hbm>>
      %dma_wait3A_112 = tpu.memref_squeeze %dma_wait3A_111 : memref<1x5x128xi32, #tpu.memory_space<hbm>> -> memref<5x128xi32, #tpu.memory_space<hbm>>
      %dma_wait3A_113 = arith.constant 0 : i32
      %dma_wait3A_114 = arith.constant 0 : i32
      %dma_wait3A_115 = tpu.memref_slice %arg3[%add3A, %dma_wait3A_113, %dma_wait3A_114] : memref<32x5x128xi32, #tpu.memory_space<hbm>> -> memref<1x5x128xi32, #tpu.memory_space<hbm>>
      %dma_wait3A_116 = tpu.memref_squeeze %dma_wait3A_115 : memref<1x5x128xi32, #tpu.memory_space<hbm>> -> memref<5x128xi32, #tpu.memory_space<hbm>>
      tpu.wait_dma2 semaphore(%run_scoped3A : memref<!tpu.dma_semaphore, #tpu.memory_space<semaphore_mem>>) src(%dma_wait3A_116 : memref<5x128xi32, #tpu.memory_space<hbm>>) dst(%arg6 : memref<5x128xi32, #tpu.memory_space<vmem>>)
      tpu.yield
    }) : () -> ()
    %dma_start3A = arith.constant 0 : i32
    %dma_start3A_3 = arith.constant 0 : i32
    %dma_start3A_4 = arith.constant 0 : i32
    %dma_start3A_5 = tpu.memref_slice %arg5[%dma_start3A_3, %dma_start3A_4] : memref<640x8xi32, #tpu.memory_space<vmem>> -> memref<128x8xi32, #tpu.memory_space<vmem>>
    %dma_start3A_6 = arith.constant 0 : i32
    %dma_start3A_7 = tpu.memref_slice %arg6[%dma_start3A, %dma_start3A_6] : memref<5x128xi32, #tpu.memory_space<vmem>> -> memref<1x128xi32, #tpu.memory_space<vmem>>
    %dma_start3A_8 = tpu.memref_squeeze %dma_start3A_7 : memref<1x128xi32, #tpu.memory_space<vmem>> -> memref<128xi32, #tpu.memory_space<vmem>>
    %dma_start3A_9 = arith.constant 0 : i32
    %dma_start3A_10 = arith.constant 0 : i32
    %dma_start3A_11 = tpu.memref_slice %arg2[%dma_start3A_9, %dma_start3A_10] : memref<20480x8xi32, #tpu.memory_space<hbm>> -> memref<20480x8xi32, #tpu.memory_space<hbm>>
    tpu.enqueue_indirect_dma source(%dma_start3A_11 : memref<20480x8xi32, #tpu.memory_space<hbm>>) target(%dma_start3A_5 : memref<128x8xi32, #tpu.memory_space<vmem>>) offsets(%dma_start3A_8 : memref<128xi32, #tpu.memory_space<vmem>>) semaphore(%arg7 : memref<!tpu.dma_semaphore, #tpu.memory_space<semaphore_mem>>)
    %dma_start3A_12 = arith.constant 1 : i32
    %dma_start3A_13 = arith.constant 128 : i32
    %dma_start3A_14 = arith.constant 0 : i32
    %dma_start3A_15 = tpu.memref_slice %arg5[%dma_start3A_13, %dma_start3A_14] : memref<640x8xi32, #tpu.memory_space<vmem>> -> memref<128x8xi32, #tpu.memory_space<vmem>>
    %dma_start3A_16 = arith.constant 0 : i32
    %dma_start3A_17 = tpu.memref_slice %arg6[%dma_start3A_12, %dma_start3A_16] : memref<5x128xi32, #tpu.memory_space<vmem>> -> memref<1x128xi32, #tpu.memory_space<vmem>>
    %dma_start3A_18 = tpu.memref_squeeze %dma_start3A_17 : memref<1x128xi32, #tpu.memory_space<vmem>> -> memref<128xi32, #tpu.memory_space<vmem>>
    %dma_start3A_19 = arith.constant 0 : i32
    %dma_start3A_20 = arith.constant 0 : i32
    %dma_start3A_21 = tpu.memref_slice %arg2[%dma_start3A_19, %dma_start3A_20] : memref<20480x8xi32, #tpu.memory_space<hbm>> -> memref<20480x8xi32, #tpu.memory_space<hbm>>
    tpu.enqueue_indirect_dma source(%dma_start3A_21 : memref<20480x8xi32, #tpu.memory_space<hbm>>) target(%dma_start3A_15 : memref<128x8xi32, #tpu.memory_space<vmem>>) offsets(%dma_start3A_18 : memref<128xi32, #tpu.memory_space<vmem>>) semaphore(%arg7 : memref<!tpu.dma_semaphore, #tpu.memory_space<semaphore_mem>>)
    %dma_start3A_22 = arith.constant 2 : i32
    %dma_start3A_23 = arith.constant 256 : i32
    %dma_start3A_24 = arith.constant 0 : i32
    %dma_start3A_25 = tpu.memref_slice %arg5[%dma_start3A_23, %dma_start3A_24] : memref<640x8xi32, #tpu.memory_space<vmem>> -> memref<128x8xi32, #tpu.memory_space<vmem>>
    %dma_start3A_26 = arith.constant 0 : i32
    %dma_start3A_27 = tpu.memref_slice %arg6[%dma_start3A_22, %dma_start3A_26] : memref<5x128xi32, #tpu.memory_space<vmem>> -> memref<1x128xi32, #tpu.memory_space<vmem>>
    %dma_start3A_28 = tpu.memref_squeeze %dma_start3A_27 : memref<1x128xi32, #tpu.memory_space<vmem>> -> memref<128xi32, #tpu.memory_space<vmem>>
    %dma_start3A_29 = arith.constant 0 : i32
    %dma_start3A_30 = arith.constant 0 : i32
    %dma_start3A_31 = tpu.memref_slice %arg2[%dma_start3A_29, %dma_start3A_30] : memref<20480x8xi32, #tpu.memory_space<hbm>> -> memref<20480x8xi32, #tpu.memory_space<hbm>>
    tpu.enqueue_indirect_dma source(%dma_start3A_31 : memref<20480x8xi32, #tpu.memory_space<hbm>>) target(%dma_start3A_25 : memref<128x8xi32, #tpu.memory_space<vmem>>) offsets(%dma_start3A_28 : memref<128xi32, #tpu.memory_space<vmem>>) semaphore(%arg7 : memref<!tpu.dma_semaphore, #tpu.memory_space<semaphore_mem>>)
    %dma_start3A_32 = arith.constant 3 : i32
    %dma_start3A_33 = arith.constant 384 : i32
    %dma_start3A_34 = arith.constant 0 : i32
    %dma_start3A_35 = tpu.memref_slice %arg5[%dma_start3A_33, %dma_start3A_34] : memref<640x8xi32, #tpu.memory_space<vmem>> -> memref<128x8xi32, #tpu.memory_space<vmem>>
    %dma_start3A_36 = arith.constant 0 : i32
    %dma_start3A_37 = tpu.memref_slice %arg6[%dma_start3A_32, %dma_start3A_36] : memref<5x128xi32, #tpu.memory_space<vmem>> -> memref<1x128xi32, #tpu.memory_space<vmem>>
    %dma_start3A_38 = tpu.memref_squeeze %dma_start3A_37 : memref<1x128xi32, #tpu.memory_space<vmem>> -> memref<128xi32, #tpu.memory_space<vmem>>
    %dma_start3A_39 = arith.constant 0 : i32
    %dma_start3A_40 = arith.constant 0 : i32
    %dma_start3A_41 = tpu.memref_slice %arg2[%dma_start3A_39, %dma_start3A_40] : memref<20480x8xi32, #tpu.memory_space<hbm>> -> memref<20480x8xi32, #tpu.memory_space<hbm>>
    tpu.enqueue_indirect_dma source(%dma_start3A_41 : memref<20480x8xi32, #tpu.memory_space<hbm>>) target(%dma_start3A_35 : memref<128x8xi32, #tpu.memory_space<vmem>>) offsets(%dma_start3A_38 : memref<128xi32, #tpu.memory_space<vmem>>) semaphore(%arg7 : memref<!tpu.dma_semaphore, #tpu.memory_space<semaphore_mem>>)
    %dma_start3A_42 = arith.constant 4 : i32
    %dma_start3A_43 = arith.constant 512 : i32
    %dma_start3A_44 = arith.constant 0 : i32
    %dma_start3A_45 = tpu.memref_slice %arg5[%dma_start3A_43, %dma_start3A_44] : memref<640x8xi32, #tpu.memory_space<vmem>> -> memref<128x8xi32, #tpu.memory_space<vmem>>
    %dma_start3A_46 = arith.constant 0 : i32
    %dma_start3A_47 = tpu.memref_slice %arg6[%dma_start3A_42, %dma_start3A_46] : memref<5x128xi32, #tpu.memory_space<vmem>> -> memref<1x128xi32, #tpu.memory_space<vmem>>
    %dma_start3A_48 = tpu.memref_squeeze %dma_start3A_47 : memref<1x128xi32, #tpu.memory_space<vmem>> -> memref<128xi32, #tpu.memory_space<vmem>>
    %dma_start3A_49 = arith.constant 0 : i32
    %dma_start3A_50 = arith.constant 0 : i32
    %dma_start3A_51 = tpu.memref_slice %arg2[%dma_start3A_49, %dma_start3A_50] : memref<20480x8xi32, #tpu.memory_space<hbm>> -> memref<20480x8xi32, #tpu.memory_space<hbm>>
    tpu.enqueue_indirect_dma source(%dma_start3A_51 : memref<20480x8xi32, #tpu.memory_space<hbm>>) target(%dma_start3A_45 : memref<128x8xi32, #tpu.memory_space<vmem>>) offsets(%dma_start3A_48 : memref<128xi32, #tpu.memory_space<vmem>>) semaphore(%arg7 : memref<!tpu.dma_semaphore, #tpu.memory_space<semaphore_mem>>)
    %dma_wait3A = arith.constant 0 : i32
    %dma_wait3A_52 = arith.constant 0 : i32
    %dma_wait3A_53 = arith.constant 0 : i32
    %dma_wait3A_54 = tpu.memref_slice %arg5[%dma_wait3A_52, %dma_wait3A_53] : memref<640x8xi32, #tpu.memory_space<vmem>> -> memref<128x8xi32, #tpu.memory_space<vmem>>
    %dma_wait3A_55 = arith.constant 0 : i32
    %dma_wait3A_56 = tpu.memref_slice %arg6[%dma_wait3A, %dma_wait3A_55] : memref<5x128xi32, #tpu.memory_space<vmem>> -> memref<1x128xi32, #tpu.memory_space<vmem>>
    %dma_wait3A_57 = tpu.memref_squeeze %dma_wait3A_56 : memref<1x128xi32, #tpu.memory_space<vmem>> -> memref<128xi32, #tpu.memory_space<vmem>>
    %dma_wait3A_58 = arith.constant 0 : i32
    %dma_wait3A_59 = arith.constant 0 : i32
    %dma_wait3A_60 = tpu.memref_slice %arg2[%dma_wait3A_58, %dma_wait3A_59] : memref<20480x8xi32, #tpu.memory_space<hbm>> -> memref<20480x8xi32, #tpu.memory_space<hbm>>
    tpu.wait_indirect_dma semaphore(%arg7 : memref<!tpu.dma_semaphore, #tpu.memory_space<semaphore_mem>>) src(%dma_wait3A_60 : memref<20480x8xi32, #tpu.memory_space<hbm>>) dst(%dma_wait3A_54 : memref<128x8xi32, #tpu.memory_space<vmem>>)
    %dma_wait3A_61 = arith.constant 1 : i32
    %dma_wait3A_62 = arith.constant 128 : i32
    %dma_wait3A_63 = arith.constant 0 : i32
    %dma_wait3A_64 = tpu.memref_slice %arg5[%dma_wait3A_62, %dma_wait3A_63] : memref<640x8xi32, #tpu.memory_space<vmem>> -> memref<128x8xi32, #tpu.memory_space<vmem>>
    %dma_wait3A_65 = arith.constant 0 : i32
    %dma_wait3A_66 = tpu.memref_slice %arg6[%dma_wait3A_61, %dma_wait3A_65] : memref<5x128xi32, #tpu.memory_space<vmem>> -> memref<1x128xi32, #tpu.memory_space<vmem>>
    %dma_wait3A_67 = tpu.memref_squeeze %dma_wait3A_66 : memref<1x128xi32, #tpu.memory_space<vmem>> -> memref<128xi32, #tpu.memory_space<vmem>>
    %dma_wait3A_68 = arith.constant 0 : i32
    %dma_wait3A_69 = arith.constant 0 : i32
    %dma_wait3A_70 = tpu.memref_slice %arg2[%dma_wait3A_68, %dma_wait3A_69] : memref<20480x8xi32, #tpu.memory_space<hbm>> -> memref<20480x8xi32, #tpu.memory_space<hbm>>
    tpu.wait_indirect_dma semaphore(%arg7 : memref<!tpu.dma_semaphore, #tpu.memory_space<semaphore_mem>>) src(%dma_wait3A_70 : memref<20480x8xi32, #tpu.memory_space<hbm>>) dst(%dma_wait3A_64 : memref<128x8xi32, #tpu.memory_space<vmem>>)
    %dma_wait3A_71 = arith.constant 2 : i32
    %dma_wait3A_72 = arith.constant 256 : i32
    %dma_wait3A_73 = arith.constant 0 : i32
    %dma_wait3A_74 = tpu.memref_slice %arg5[%dma_wait3A_72, %dma_wait3A_73] : memref<640x8xi32, #tpu.memory_space<vmem>> -> memref<128x8xi32, #tpu.memory_space<vmem>>
    %dma_wait3A_75 = arith.constant 0 : i32
    %dma_wait3A_76 = tpu.memref_slice %arg6[%dma_wait3A_71, %dma_wait3A_75] : memref<5x128xi32, #tpu.memory_space<vmem>> -> memref<1x128xi32, #tpu.memory_space<vmem>>
    %dma_wait3A_77 = tpu.memref_squeeze %dma_wait3A_76 : memref<1x128xi32, #tpu.memory_space<vmem>> -> memref<128xi32, #tpu.memory_space<vmem>>
    %dma_wait3A_78 = arith.constant 0 : i32
    %dma_wait3A_79 = arith.constant 0 : i32
    %dma_wait3A_80 = tpu.memref_slice %arg2[%dma_wait3A_78, %dma_wait3A_79] : memref<20480x8xi32, #tpu.memory_space<hbm>> -> memref<20480x8xi32, #tpu.memory_space<hbm>>
    tpu.wait_indirect_dma semaphore(%arg7 : memref<!tpu.dma_semaphore, #tpu.memory_space<semaphore_mem>>) src(%dma_wait3A_80 : memref<20480x8xi32, #tpu.memory_space<hbm>>) dst(%dma_wait3A_74 : memref<128x8xi32, #tpu.memory_space<vmem>>)
    %dma_wait3A_81 = arith.constant 3 : i32
    %dma_wait3A_82 = arith.constant 384 : i32
    %dma_wait3A_83 = arith.constant 0 : i32
    %dma_wait3A_84 = tpu.memref_slice %arg5[%dma_wait3A_82, %dma_wait3A_83] : memref<640x8xi32, #tpu.memory_space<vmem>> -> memref<128x8xi32, #tpu.memory_space<vmem>>
    %dma_wait3A_85 = arith.constant 0 : i32
    %dma_wait3A_86 = tpu.memref_slice %arg6[%dma_wait3A_81, %dma_wait3A_85] : memref<5x128xi32, #tpu.memory_space<vmem>> -> memref<1x128xi32, #tpu.memory_space<vmem>>
    %dma_wait3A_87 = tpu.memref_squeeze %dma_wait3A_86 : memref<1x128xi32, #tpu.memory_space<vmem>> -> memref<128xi32, #tpu.memory_space<vmem>>
    %dma_wait3A_88 = arith.constant 0 : i32
    %dma_wait3A_89 = arith.constant 0 : i32
    %dma_wait3A_90 = tpu.memref_slice %arg2[%dma_wait3A_88, %dma_wait3A_89] : memref<20480x8xi32, #tpu.memory_space<hbm>> -> memref<20480x8xi32, #tpu.memory_space<hbm>>
    tpu.wait_indirect_dma semaphore(%arg7 : memref<!tpu.dma_semaphore, #tpu.memory_space<semaphore_mem>>) src(%dma_wait3A_90 : memref<20480x8xi32, #tpu.memory_space<hbm>>) dst(%dma_wait3A_84 : memref<128x8xi32, #tpu.memory_space<vmem>>)
    %dma_wait3A_91 = arith.constant 4 : i32
    %dma_wait3A_92 = arith.constant 512 : i32
    %dma_wait3A_93 = arith.constant 0 : i32
    %dma_wait3A_94 = tpu.memref_slice %arg5[%dma_wait3A_92, %dma_wait3A_93] : memref<640x8xi32, #tpu.memory_space<vmem>> -> memref<128x8xi32, #tpu.memory_space<vmem>>
    %dma_wait3A_95 = arith.constant 0 : i32
    %dma_wait3A_96 = tpu.memref_slice %arg6[%dma_wait3A_91, %dma_wait3A_95] : memref<5x128xi32, #tpu.memory_space<vmem>> -> memref<1x128xi32, #tpu.memory_space<vmem>>
    %dma_wait3A_97 = tpu.memref_squeeze %dma_wait3A_96 : memref<1x128xi32, #tpu.memory_space<vmem>> -> memref<128xi32, #tpu.memory_space<vmem>>
    %dma_wait3A_98 = arith.constant 0 : i32
    %dma_wait3A_99 = arith.constant 0 : i32
    %dma_wait3A_100 = tpu.memref_slice %arg2[%dma_wait3A_98, %dma_wait3A_99] : memref<20480x8xi32, #tpu.memory_space<hbm>> -> memref<20480x8xi32, #tpu.memory_space<hbm>>
    tpu.wait_indirect_dma semaphore(%arg7 : memref<!tpu.dma_semaphore, #tpu.memory_space<semaphore_mem>>) src(%dma_wait3A_100 : memref<20480x8xi32, #tpu.memory_space<hbm>>) dst(%dma_wait3A_94 : memref<128x8xi32, #tpu.memory_space<vmem>>)
    "tpu.region"() ({
      %run_scoped3A = tpu.sem_alloc : memref<!tpu.dma_semaphore, #tpu.memory_space<semaphore_mem>>
      %dma_start3A_101 = arith.constant 0 : i32
      %dma_start3A_102 = tpu.memref_slice %arg4[%mul3A_2, %dma_start3A_101] : memref<20480x8xi32, #tpu.memory_space<hbm>> -> memref<640x8xi32, #tpu.memory_space<hbm>>
      %dma_start3A_103 = arith.constant 0 : i32
      %dma_start3A_104 = tpu.memref_slice %arg4[%mul3A_2, %dma_start3A_103] : memref<20480x8xi32, #tpu.memory_space<hbm>> -> memref<640x8xi32, #tpu.memory_space<hbm>>
      tpu.enqueue_dma source(%arg5 : memref<640x8xi32, #tpu.memory_space<vmem>>) target(%dma_start3A_104 : memref<640x8xi32, #tpu.memory_space<hbm>>) target_semaphore(%run_scoped3A : memref<!tpu.dma_semaphore, #tpu.memory_space<semaphore_mem>>)
      %dma_wait3A_105 = arith.constant 0 : i32
      %dma_wait3A_106 = tpu.memref_slice %arg4[%mul3A_2, %dma_wait3A_105] : memref<20480x8xi32, #tpu.memory_space<hbm>> -> memref<640x8xi32, #tpu.memory_space<hbm>>
      %dma_wait3A_107 = arith.constant 0 : i32
      %dma_wait3A_108 = tpu.memref_slice %arg4[%mul3A_2, %dma_wait3A_107] : memref<20480x8xi32, #tpu.memory_space<hbm>> -> memref<640x8xi32, #tpu.memory_space<hbm>>
      tpu.wait_dma2 semaphore(%run_scoped3A : memref<!tpu.dma_semaphore, #tpu.memory_space<semaphore_mem>>) src(%arg5 : memref<640x8xi32, #tpu.memory_space<vmem>>) dst(%dma_wait3A_108 : memref<640x8xi32, #tpu.memory_space<hbm>>)
      tpu.yield
    }) : () -> ()
    return
  }
}

#map = affine_map<(d0, d1) -> (0, 0)>
#map1 = affine_map<(d0, d1) -> (0, 0, 0)>
module attributes {stable_mosaic.version = 14 : i64} {
  func.func @_sc_scatter_body(%arg0: i32, %arg1: i32, %arg2: memref<20480x8xi32, #tpu.memory_space<hbm>>, %arg3: memref<32x5x128xi32, #tpu.memory_space<hbm>>, %arg4: memref<20224x8xi32, #tpu.memory_space<hbm>>, %arg5: memref<640x8xi32, #tpu.memory_space<vmem>>, %arg6: memref<5x128xi32, #tpu.memory_space<vmem>>, %arg7: memref<!tpu.dma_semaphore, #tpu.memory_space<semaphore_mem>>) attributes {dimension_semantics = [#tpu.dimension_semantics<core_parallel>, #tpu.dimension_semantics<subcore_parallel>], iteration_bounds = array<i64: 2, 16>, scalar_prefetch = 0 : i64, scratch_operands = 3 : i64, tpu.core_type = #tpu.core_type<sc_vector_subcore>, window_params = [{transform_indices = #map}, {transform_indices = #map1}, {transform_indices = #map}]} {
    %mul3A = arith.constant 2 : i32
    %mul3A_0 = arith.muli %arg1, %mul3A : i32
    %add3A = arith.addi %mul3A_0, %arg0 : i32
    %mul3A_1 = arith.constant 640 : i32
    %mul3A_2 = arith.muli %add3A, %mul3A_1 : i32
    "tpu.region"() ({
      %run_scoped3A = tpu.sem_alloc : memref<!tpu.dma_semaphore, #tpu.memory_space<semaphore_mem>>
      %dma_start3A_101 = arith.constant 0 : i32
      %dma_start3A_102 = tpu.memref_slice %arg2[%mul3A_2, %dma_start3A_101] : memref<20480x8xi32, #tpu.memory_space<hbm>> -> memref<640x8xi32, #tpu.memory_space<hbm>>
      %dma_start3A_103 = arith.constant 0 : i32
      %dma_start3A_104 = tpu.memref_slice %arg2[%mul3A_2, %dma_start3A_103] : memref<20480x8xi32, #tpu.memory_space<hbm>> -> memref<640x8xi32, #tpu.memory_space<hbm>>
      tpu.enqueue_dma source(%dma_start3A_104 : memref<640x8xi32, #tpu.memory_space<hbm>>) target(%arg5 : memref<640x8xi32, #tpu.memory_space<vmem>>) target_semaphore(%run_scoped3A : memref<!tpu.dma_semaphore, #tpu.memory_space<semaphore_mem>>)
      %dma_wait3A_105 = arith.constant 0 : i32
      %dma_wait3A_106 = tpu.memref_slice %arg2[%mul3A_2, %dma_wait3A_105] : memref<20480x8xi32, #tpu.memory_space<hbm>> -> memref<640x8xi32, #tpu.memory_space<hbm>>
      %dma_wait3A_107 = arith.constant 0 : i32
      %dma_wait3A_108 = tpu.memref_slice %arg2[%mul3A_2, %dma_wait3A_107] : memref<20480x8xi32, #tpu.memory_space<hbm>> -> memref<640x8xi32, #tpu.memory_space<hbm>>
      tpu.wait_dma2 semaphore(%run_scoped3A : memref<!tpu.dma_semaphore, #tpu.memory_space<semaphore_mem>>) src(%dma_wait3A_108 : memref<640x8xi32, #tpu.memory_space<hbm>>) dst(%arg5 : memref<640x8xi32, #tpu.memory_space<vmem>>)
      tpu.yield
    }) : () -> ()
    "tpu.region"() ({
      %run_scoped3A = tpu.sem_alloc : memref<!tpu.dma_semaphore, #tpu.memory_space<semaphore_mem>>
      %dma_start3A_101 = arith.constant 0 : i32
      %dma_start3A_102 = arith.constant 0 : i32
      %dma_start3A_103 = tpu.memref_slice %arg3[%add3A, %dma_start3A_101, %dma_start3A_102] : memref<32x5x128xi32, #tpu.memory_space<hbm>> -> memref<1x5x128xi32, #tpu.memory_space<hbm>>
      %dma_start3A_104 = tpu.memref_squeeze %dma_start3A_103 : memref<1x5x128xi32, #tpu.memory_space<hbm>> -> memref<5x128xi32, #tpu.memory_space<hbm>>
      %dma_start3A_105 = arith.constant 0 : i32
      %dma_start3A_106 = arith.constant 0 : i32
      %dma_start3A_107 = tpu.memref_slice %arg3[%add3A, %dma_start3A_105, %dma_start3A_106] : memref<32x5x128xi32, #tpu.memory_space<hbm>> -> memref<1x5x128xi32, #tpu.memory_space<hbm>>
      %dma_start3A_108 = tpu.memref_squeeze %dma_start3A_107 : memref<1x5x128xi32, #tpu.memory_space<hbm>> -> memref<5x128xi32, #tpu.memory_space<hbm>>
      tpu.enqueue_dma source(%dma_start3A_108 : memref<5x128xi32, #tpu.memory_space<hbm>>) target(%arg6 : memref<5x128xi32, #tpu.memory_space<vmem>>) target_semaphore(%run_scoped3A : memref<!tpu.dma_semaphore, #tpu.memory_space<semaphore_mem>>)
      %dma_wait3A_109 = arith.constant 0 : i32
      %dma_wait3A_110 = arith.constant 0 : i32
      %dma_wait3A_111 = tpu.memref_slice %arg3[%add3A, %dma_wait3A_109, %dma_wait3A_110] : memref<32x5x128xi32, #tpu.memory_space<hbm>> -> memref<1x5x128xi32, #tpu.memory_space<hbm>>
      %dma_wait3A_112 = tpu.memref_squeeze %dma_wait3A_111 : memref<1x5x128xi32, #tpu.memory_space<hbm>> -> memref<5x128xi32, #tpu.memory_space<hbm>>
      %dma_wait3A_113 = arith.constant 0 : i32
      %dma_wait3A_114 = arith.constant 0 : i32
      %dma_wait3A_115 = tpu.memref_slice %arg3[%add3A, %dma_wait3A_113, %dma_wait3A_114] : memref<32x5x128xi32, #tpu.memory_space<hbm>> -> memref<1x5x128xi32, #tpu.memory_space<hbm>>
      %dma_wait3A_116 = tpu.memref_squeeze %dma_wait3A_115 : memref<1x5x128xi32, #tpu.memory_space<hbm>> -> memref<5x128xi32, #tpu.memory_space<hbm>>
      tpu.wait_dma2 semaphore(%run_scoped3A : memref<!tpu.dma_semaphore, #tpu.memory_space<semaphore_mem>>) src(%dma_wait3A_116 : memref<5x128xi32, #tpu.memory_space<hbm>>) dst(%arg6 : memref<5x128xi32, #tpu.memory_space<vmem>>)
      tpu.yield
    }) : () -> ()
    %dma_start3A = arith.constant 0 : i32
    %dma_start3A_3 = arith.constant 0 : i32
    %dma_start3A_4 = arith.constant 0 : i32
    %dma_start3A_5 = tpu.memref_slice %arg5[%dma_start3A_3, %dma_start3A_4] : memref<640x8xi32, #tpu.memory_space<vmem>> -> memref<128x8xi32, #tpu.memory_space<vmem>>
    %dma_start3A_6 = arith.constant 0 : i32
    %dma_start3A_7 = tpu.memref_slice %arg6[%dma_start3A, %dma_start3A_6] : memref<5x128xi32, #tpu.memory_space<vmem>> -> memref<1x128xi32, #tpu.memory_space<vmem>>
    %dma_start3A_8 = tpu.memref_squeeze %dma_start3A_7 : memref<1x128xi32, #tpu.memory_space<vmem>> -> memref<128xi32, #tpu.memory_space<vmem>>
    %dma_start3A_9 = arith.constant 0 : i32
    %dma_start3A_10 = arith.constant 0 : i32
    %dma_start3A_11 = tpu.memref_slice %arg4[%dma_start3A_9, %dma_start3A_10] : memref<20224x8xi32, #tpu.memory_space<hbm>> -> memref<20224x8xi32, #tpu.memory_space<hbm>>
    tpu.enqueue_indirect_dma source(%dma_start3A_5 : memref<128x8xi32, #tpu.memory_space<vmem>>) target(%dma_start3A_11 : memref<20224x8xi32, #tpu.memory_space<hbm>>) offsets(%dma_start3A_8 : memref<128xi32, #tpu.memory_space<vmem>>) semaphore(%arg7 : memref<!tpu.dma_semaphore, #tpu.memory_space<semaphore_mem>>)
    %dma_start3A_12 = arith.constant 1 : i32
    %dma_start3A_13 = arith.constant 128 : i32
    %dma_start3A_14 = arith.constant 0 : i32
    %dma_start3A_15 = tpu.memref_slice %arg5[%dma_start3A_13, %dma_start3A_14] : memref<640x8xi32, #tpu.memory_space<vmem>> -> memref<128x8xi32, #tpu.memory_space<vmem>>
    %dma_start3A_16 = arith.constant 0 : i32
    %dma_start3A_17 = tpu.memref_slice %arg6[%dma_start3A_12, %dma_start3A_16] : memref<5x128xi32, #tpu.memory_space<vmem>> -> memref<1x128xi32, #tpu.memory_space<vmem>>
    %dma_start3A_18 = tpu.memref_squeeze %dma_start3A_17 : memref<1x128xi32, #tpu.memory_space<vmem>> -> memref<128xi32, #tpu.memory_space<vmem>>
    %dma_start3A_19 = arith.constant 0 : i32
    %dma_start3A_20 = arith.constant 0 : i32
    %dma_start3A_21 = tpu.memref_slice %arg4[%dma_start3A_19, %dma_start3A_20] : memref<20224x8xi32, #tpu.memory_space<hbm>> -> memref<20224x8xi32, #tpu.memory_space<hbm>>
    tpu.enqueue_indirect_dma source(%dma_start3A_15 : memref<128x8xi32, #tpu.memory_space<vmem>>) target(%dma_start3A_21 : memref<20224x8xi32, #tpu.memory_space<hbm>>) offsets(%dma_start3A_18 : memref<128xi32, #tpu.memory_space<vmem>>) semaphore(%arg7 : memref<!tpu.dma_semaphore, #tpu.memory_space<semaphore_mem>>)
    %dma_start3A_22 = arith.constant 2 : i32
    %dma_start3A_23 = arith.constant 256 : i32
    %dma_start3A_24 = arith.constant 0 : i32
    %dma_start3A_25 = tpu.memref_slice %arg5[%dma_start3A_23, %dma_start3A_24] : memref<640x8xi32, #tpu.memory_space<vmem>> -> memref<128x8xi32, #tpu.memory_space<vmem>>
    %dma_start3A_26 = arith.constant 0 : i32
    %dma_start3A_27 = tpu.memref_slice %arg6[%dma_start3A_22, %dma_start3A_26] : memref<5x128xi32, #tpu.memory_space<vmem>> -> memref<1x128xi32, #tpu.memory_space<vmem>>
    %dma_start3A_28 = tpu.memref_squeeze %dma_start3A_27 : memref<1x128xi32, #tpu.memory_space<vmem>> -> memref<128xi32, #tpu.memory_space<vmem>>
    %dma_start3A_29 = arith.constant 0 : i32
    %dma_start3A_30 = arith.constant 0 : i32
    %dma_start3A_31 = tpu.memref_slice %arg4[%dma_start3A_29, %dma_start3A_30] : memref<20224x8xi32, #tpu.memory_space<hbm>> -> memref<20224x8xi32, #tpu.memory_space<hbm>>
    tpu.enqueue_indirect_dma source(%dma_start3A_25 : memref<128x8xi32, #tpu.memory_space<vmem>>) target(%dma_start3A_31 : memref<20224x8xi32, #tpu.memory_space<hbm>>) offsets(%dma_start3A_28 : memref<128xi32, #tpu.memory_space<vmem>>) semaphore(%arg7 : memref<!tpu.dma_semaphore, #tpu.memory_space<semaphore_mem>>)
    %dma_start3A_32 = arith.constant 3 : i32
    %dma_start3A_33 = arith.constant 384 : i32
    %dma_start3A_34 = arith.constant 0 : i32
    %dma_start3A_35 = tpu.memref_slice %arg5[%dma_start3A_33, %dma_start3A_34] : memref<640x8xi32, #tpu.memory_space<vmem>> -> memref<128x8xi32, #tpu.memory_space<vmem>>
    %dma_start3A_36 = arith.constant 0 : i32
    %dma_start3A_37 = tpu.memref_slice %arg6[%dma_start3A_32, %dma_start3A_36] : memref<5x128xi32, #tpu.memory_space<vmem>> -> memref<1x128xi32, #tpu.memory_space<vmem>>
    %dma_start3A_38 = tpu.memref_squeeze %dma_start3A_37 : memref<1x128xi32, #tpu.memory_space<vmem>> -> memref<128xi32, #tpu.memory_space<vmem>>
    %dma_start3A_39 = arith.constant 0 : i32
    %dma_start3A_40 = arith.constant 0 : i32
    %dma_start3A_41 = tpu.memref_slice %arg4[%dma_start3A_39, %dma_start3A_40] : memref<20224x8xi32, #tpu.memory_space<hbm>> -> memref<20224x8xi32, #tpu.memory_space<hbm>>
    tpu.enqueue_indirect_dma source(%dma_start3A_35 : memref<128x8xi32, #tpu.memory_space<vmem>>) target(%dma_start3A_41 : memref<20224x8xi32, #tpu.memory_space<hbm>>) offsets(%dma_start3A_38 : memref<128xi32, #tpu.memory_space<vmem>>) semaphore(%arg7 : memref<!tpu.dma_semaphore, #tpu.memory_space<semaphore_mem>>)
    %dma_start3A_42 = arith.constant 4 : i32
    %dma_start3A_43 = arith.constant 512 : i32
    %dma_start3A_44 = arith.constant 0 : i32
    %dma_start3A_45 = tpu.memref_slice %arg5[%dma_start3A_43, %dma_start3A_44] : memref<640x8xi32, #tpu.memory_space<vmem>> -> memref<128x8xi32, #tpu.memory_space<vmem>>
    %dma_start3A_46 = arith.constant 0 : i32
    %dma_start3A_47 = tpu.memref_slice %arg6[%dma_start3A_42, %dma_start3A_46] : memref<5x128xi32, #tpu.memory_space<vmem>> -> memref<1x128xi32, #tpu.memory_space<vmem>>
    %dma_start3A_48 = tpu.memref_squeeze %dma_start3A_47 : memref<1x128xi32, #tpu.memory_space<vmem>> -> memref<128xi32, #tpu.memory_space<vmem>>
    %dma_start3A_49 = arith.constant 0 : i32
    %dma_start3A_50 = arith.constant 0 : i32
    %dma_start3A_51 = tpu.memref_slice %arg4[%dma_start3A_49, %dma_start3A_50] : memref<20224x8xi32, #tpu.memory_space<hbm>> -> memref<20224x8xi32, #tpu.memory_space<hbm>>
    tpu.enqueue_indirect_dma source(%dma_start3A_45 : memref<128x8xi32, #tpu.memory_space<vmem>>) target(%dma_start3A_51 : memref<20224x8xi32, #tpu.memory_space<hbm>>) offsets(%dma_start3A_48 : memref<128xi32, #tpu.memory_space<vmem>>) semaphore(%arg7 : memref<!tpu.dma_semaphore, #tpu.memory_space<semaphore_mem>>)
    %dma_wait3A = arith.constant 0 : i32
    %dma_wait3A_52 = arith.constant 0 : i32
    %dma_wait3A_53 = arith.constant 0 : i32
    %dma_wait3A_54 = tpu.memref_slice %arg5[%dma_wait3A_52, %dma_wait3A_53] : memref<640x8xi32, #tpu.memory_space<vmem>> -> memref<128x8xi32, #tpu.memory_space<vmem>>
    %dma_wait3A_55 = arith.constant 0 : i32
    %dma_wait3A_56 = tpu.memref_slice %arg6[%dma_wait3A, %dma_wait3A_55] : memref<5x128xi32, #tpu.memory_space<vmem>> -> memref<1x128xi32, #tpu.memory_space<vmem>>
    %dma_wait3A_57 = tpu.memref_squeeze %dma_wait3A_56 : memref<1x128xi32, #tpu.memory_space<vmem>> -> memref<128xi32, #tpu.memory_space<vmem>>
    %dma_wait3A_58 = arith.constant 0 : i32
    %dma_wait3A_59 = arith.constant 0 : i32
    %dma_wait3A_60 = tpu.memref_slice %arg4[%dma_wait3A_58, %dma_wait3A_59] : memref<20224x8xi32, #tpu.memory_space<hbm>> -> memref<20224x8xi32, #tpu.memory_space<hbm>>
    tpu.wait_indirect_dma semaphore(%arg7 : memref<!tpu.dma_semaphore, #tpu.memory_space<semaphore_mem>>) src(%dma_wait3A_54 : memref<128x8xi32, #tpu.memory_space<vmem>>) dst(%dma_wait3A_60 : memref<20224x8xi32, #tpu.memory_space<hbm>>)
    %dma_wait3A_61 = arith.constant 1 : i32
    %dma_wait3A_62 = arith.constant 128 : i32
    %dma_wait3A_63 = arith.constant 0 : i32
    %dma_wait3A_64 = tpu.memref_slice %arg5[%dma_wait3A_62, %dma_wait3A_63] : memref<640x8xi32, #tpu.memory_space<vmem>> -> memref<128x8xi32, #tpu.memory_space<vmem>>
    %dma_wait3A_65 = arith.constant 0 : i32
    %dma_wait3A_66 = tpu.memref_slice %arg6[%dma_wait3A_61, %dma_wait3A_65] : memref<5x128xi32, #tpu.memory_space<vmem>> -> memref<1x128xi32, #tpu.memory_space<vmem>>
    %dma_wait3A_67 = tpu.memref_squeeze %dma_wait3A_66 : memref<1x128xi32, #tpu.memory_space<vmem>> -> memref<128xi32, #tpu.memory_space<vmem>>
    %dma_wait3A_68 = arith.constant 0 : i32
    %dma_wait3A_69 = arith.constant 0 : i32
    %dma_wait3A_70 = tpu.memref_slice %arg4[%dma_wait3A_68, %dma_wait3A_69] : memref<20224x8xi32, #tpu.memory_space<hbm>> -> memref<20224x8xi32, #tpu.memory_space<hbm>>
    tpu.wait_indirect_dma semaphore(%arg7 : memref<!tpu.dma_semaphore, #tpu.memory_space<semaphore_mem>>) src(%dma_wait3A_64 : memref<128x8xi32, #tpu.memory_space<vmem>>) dst(%dma_wait3A_70 : memref<20224x8xi32, #tpu.memory_space<hbm>>)
    %dma_wait3A_71 = arith.constant 2 : i32
    %dma_wait3A_72 = arith.constant 256 : i32
    %dma_wait3A_73 = arith.constant 0 : i32
    %dma_wait3A_74 = tpu.memref_slice %arg5[%dma_wait3A_72, %dma_wait3A_73] : memref<640x8xi32, #tpu.memory_space<vmem>> -> memref<128x8xi32, #tpu.memory_space<vmem>>
    %dma_wait3A_75 = arith.constant 0 : i32
    %dma_wait3A_76 = tpu.memref_slice %arg6[%dma_wait3A_71, %dma_wait3A_75] : memref<5x128xi32, #tpu.memory_space<vmem>> -> memref<1x128xi32, #tpu.memory_space<vmem>>
    %dma_wait3A_77 = tpu.memref_squeeze %dma_wait3A_76 : memref<1x128xi32, #tpu.memory_space<vmem>> -> memref<128xi32, #tpu.memory_space<vmem>>
    %dma_wait3A_78 = arith.constant 0 : i32
    %dma_wait3A_79 = arith.constant 0 : i32
    %dma_wait3A_80 = tpu.memref_slice %arg4[%dma_wait3A_78, %dma_wait3A_79] : memref<20224x8xi32, #tpu.memory_space<hbm>> -> memref<20224x8xi32, #tpu.memory_space<hbm>>
    tpu.wait_indirect_dma semaphore(%arg7 : memref<!tpu.dma_semaphore, #tpu.memory_space<semaphore_mem>>) src(%dma_wait3A_74 : memref<128x8xi32, #tpu.memory_space<vmem>>) dst(%dma_wait3A_80 : memref<20224x8xi32, #tpu.memory_space<hbm>>)
    %dma_wait3A_81 = arith.constant 3 : i32
    %dma_wait3A_82 = arith.constant 384 : i32
    %dma_wait3A_83 = arith.constant 0 : i32
    %dma_wait3A_84 = tpu.memref_slice %arg5[%dma_wait3A_82, %dma_wait3A_83] : memref<640x8xi32, #tpu.memory_space<vmem>> -> memref<128x8xi32, #tpu.memory_space<vmem>>
    %dma_wait3A_85 = arith.constant 0 : i32
    %dma_wait3A_86 = tpu.memref_slice %arg6[%dma_wait3A_81, %dma_wait3A_85] : memref<5x128xi32, #tpu.memory_space<vmem>> -> memref<1x128xi32, #tpu.memory_space<vmem>>
    %dma_wait3A_87 = tpu.memref_squeeze %dma_wait3A_86 : memref<1x128xi32, #tpu.memory_space<vmem>> -> memref<128xi32, #tpu.memory_space<vmem>>
    %dma_wait3A_88 = arith.constant 0 : i32
    %dma_wait3A_89 = arith.constant 0 : i32
    %dma_wait3A_90 = tpu.memref_slice %arg4[%dma_wait3A_88, %dma_wait3A_89] : memref<20224x8xi32, #tpu.memory_space<hbm>> -> memref<20224x8xi32, #tpu.memory_space<hbm>>
    tpu.wait_indirect_dma semaphore(%arg7 : memref<!tpu.dma_semaphore, #tpu.memory_space<semaphore_mem>>) src(%dma_wait3A_84 : memref<128x8xi32, #tpu.memory_space<vmem>>) dst(%dma_wait3A_90 : memref<20224x8xi32, #tpu.memory_space<hbm>>)
    %dma_wait3A_91 = arith.constant 4 : i32
    %dma_wait3A_92 = arith.constant 512 : i32
    %dma_wait3A_93 = arith.constant 0 : i32
    %dma_wait3A_94 = tpu.memref_slice %arg5[%dma_wait3A_92, %dma_wait3A_93] : memref<640x8xi32, #tpu.memory_space<vmem>> -> memref<128x8xi32, #tpu.memory_space<vmem>>
    %dma_wait3A_95 = arith.constant 0 : i32
    %dma_wait3A_96 = tpu.memref_slice %arg6[%dma_wait3A_91, %dma_wait3A_95] : memref<5x128xi32, #tpu.memory_space<vmem>> -> memref<1x128xi32, #tpu.memory_space<vmem>>
    %dma_wait3A_97 = tpu.memref_squeeze %dma_wait3A_96 : memref<1x128xi32, #tpu.memory_space<vmem>> -> memref<128xi32, #tpu.memory_space<vmem>>
    %dma_wait3A_98 = arith.constant 0 : i32
    %dma_wait3A_99 = arith.constant 0 : i32
    %dma_wait3A_100 = tpu.memref_slice %arg4[%dma_wait3A_98, %dma_wait3A_99] : memref<20224x8xi32, #tpu.memory_space<hbm>> -> memref<20224x8xi32, #tpu.memory_space<hbm>>
    tpu.wait_indirect_dma semaphore(%arg7 : memref<!tpu.dma_semaphore, #tpu.memory_space<semaphore_mem>>) src(%dma_wait3A_94 : memref<128x8xi32, #tpu.memory_space<vmem>>) dst(%dma_wait3A_100 : memref<20224x8xi32, #tpu.memory_space<hbm>>)
    return
  }
}

module attributes {stable_mosaic.version = 14 : i64} {
  func.func @_pre_body(%arg0: i32, %arg1: memref<1x4x5120xf32, #tpu.memory_space<vmem>>, %arg2: memref<1x1x5120xf32, #tpu.memory_space<vmem>>, %arg3: memref<1x80x5120xf32, #tpu.memory_space<vmem>>, %arg4: memref<1x4x5120xf32, #tpu.memory_space<vmem>>, %arg5: memref<1x1x5120xf32, #tpu.memory_space<vmem>>, %arg6: memref<1x1x5120xi32, #tpu.memory_space<vmem>>, %arg7: memref<1x1x5120xf32, #tpu.memory_space<vmem>>) attributes {dimension_semantics = [#tpu.dimension_semantics<arbitrary>], iteration_bounds = array<i64: 4>, scalar_prefetch = 0 : i64, scratch_operands = 0 : i64, tpu.core_type = #tpu.core_type<tc>, window_params = [{transform_indices = @transform_0, window_bounds = array<i64: 1, 4, 5120>}, {transform_indices = @transform_1, window_bounds = array<i64: 1, 1, 5120>}, {transform_indices = @transform_2, window_bounds = array<i64: 1, 80, 5120>}, {transform_indices = @transform_3, window_bounds = array<i64: 1, 4, 5120>}, {transform_indices = @transform_4, window_bounds = array<i64: 1, 1, 5120>}, {transform_indices = @transform_5, window_bounds = array<i64: 1, 1, 5120>}, {transform_indices = @transform_6, window_bounds = array<i64: 1, 1, 5120>}]} {
    %get3A = arith.constant 0 : index
    %get3A_0 = arith.constant 0 : index
    %get3A_1 = arith.constant 0 : index
    %get3A_2 = vector.load %arg1[%get3A, %get3A_0, %get3A_1] : memref<1x4x5120xf32, #tpu.memory_space<vmem>>, vector<1x1x5120xf32>
    %get3A_3 = vector.shape_cast %get3A_2 : vector<1x1x5120xf32> to vector<1x5120xf32>
    %get3A_4 = arith.constant 0 : index
    %get3A_5 = arith.constant 1 : index
    %get3A_6 = arith.constant 0 : index
    %get3A_7 = vector.load %arg1[%get3A_4, %get3A_5, %get3A_6] : memref<1x4x5120xf32, #tpu.memory_space<vmem>>, vector<1x1x5120xf32>
    %get3A_8 = vector.shape_cast %get3A_7 : vector<1x1x5120xf32> to vector<1x5120xf32>
    %get3A_9 = arith.constant 0 : index
    %get3A_10 = arith.constant 2 : index
    %get3A_11 = arith.constant 0 : index
    %get3A_12 = vector.load %arg1[%get3A_9, %get3A_10, %get3A_11] : memref<1x4x5120xf32, #tpu.memory_space<vmem>>, vector<1x1x5120xf32>
    %get3A_13 = vector.shape_cast %get3A_12 : vector<1x1x5120xf32> to vector<1x5120xf32>
    %get3A_14 = arith.constant 0 : index
    %get3A_15 = arith.constant 3 : index
    %get3A_16 = arith.constant 0 : index
    %get3A_17 = vector.load %arg1[%get3A_14, %get3A_15, %get3A_16] : memref<1x4x5120xf32, #tpu.memory_space<vmem>>, vector<1x1x5120xf32>
    %get3A_18 = vector.shape_cast %get3A_17 : vector<1x1x5120xf32> to vector<1x5120xf32>
    %jit3A = arith.constant 0.000000e+00 : f32
    %jit3A_19 = arith.constant 1.000000e+00 : f32
    %max3A = vector.broadcast %jit3A : f32 to vector<1x5120xf32>
    %max3A_20 = arith.maximumf %max3A, %get3A_3 : vector<1x5120xf32>
    %min3A = vector.broadcast %jit3A_19 : f32 to vector<1x5120xf32>
    %min3A_21 = arith.minimumf %min3A, %max3A_20 : vector<1x5120xf32>
    %jit3A_22 = arith.constant 0.000000e+00 : f32
    %jit3A_23 = arith.constant 1.000000e+00 : f32
    %max3A_24 = vector.broadcast %jit3A_22 : f32 to vector<1x5120xf32>
    %max3A_25 = arith.maximumf %max3A_24, %get3A_8 : vector<1x5120xf32>
    %min3A_26 = vector.broadcast %jit3A_23 : f32 to vector<1x5120xf32>
    %min3A_27 = arith.minimumf %min3A_26, %max3A_25 : vector<1x5120xf32>
    %add3A = arith.addf %get3A_3, %get3A_13 : vector<1x5120xf32>
    %jit3A_28 = arith.constant 0.000000e+00 : f32
    %jit3A_29 = arith.constant 1.000000e+00 : f32
    %max3A_30 = vector.broadcast %jit3A_28 : f32 to vector<1x5120xf32>
    %max3A_31 = arith.maximumf %max3A_30, %add3A : vector<1x5120xf32>
    %min3A_32 = vector.broadcast %jit3A_29 : f32 to vector<1x5120xf32>
    %min3A_33 = arith.minimumf %min3A_32, %max3A_31 : vector<1x5120xf32>
    %add3A_34 = arith.addf %get3A_8, %get3A_18 : vector<1x5120xf32>
    %jit3A_35 = arith.constant 0.000000e+00 : f32
    %jit3A_36 = arith.constant 1.000000e+00 : f32
    %max3A_37 = vector.broadcast %jit3A_35 : f32 to vector<1x5120xf32>
    %max3A_38 = arith.maximumf %max3A_37, %add3A_34 : vector<1x5120xf32>
    %min3A_39 = vector.broadcast %jit3A_36 : f32 to vector<1x5120xf32>
    %min3A_40 = arith.minimumf %min3A_39, %max3A_38 : vector<1x5120xf32>
    %swap3A = arith.constant 0 : index
    %swap3A_41 = arith.constant 0 : index
    %swap3A_42 = arith.constant 0 : index
    %swap3A_43 = vector.load %arg4[%swap3A, %swap3A_41, %swap3A_42] : memref<1x4x5120xf32, #tpu.memory_space<vmem>>, vector<1x1x5120xf32>
    %swap3A_44 = vector.shape_cast %swap3A_43 : vector<1x1x5120xf32> to vector<1x5120xf32>
    %swap3A_45 = vector.shape_cast %min3A_21 : vector<1x5120xf32> to vector<1x1x5120xf32>
    tpu.vector_store %arg4[%swap3A, %swap3A_41, %swap3A_42], %swap3A_45 {strides = array<i32>} : memref<1x4x5120xf32, #tpu.memory_space<vmem>>, vector<1x1x5120xf32>,
    %swap3A_46 = arith.constant 0 : index
    %swap3A_47 = arith.constant 1 : index
    %swap3A_48 = arith.constant 0 : index
    %swap3A_49 = vector.load %arg4[%swap3A_46, %swap3A_47, %swap3A_48] : memref<1x4x5120xf32, #tpu.memory_space<vmem>>, vector<1x1x5120xf32>
    %swap3A_50 = vector.shape_cast %swap3A_49 : vector<1x1x5120xf32> to vector<1x5120xf32>
    %swap3A_51 = vector.shape_cast %min3A_27 : vector<1x5120xf32> to vector<1x1x5120xf32>
    tpu.vector_store %arg4[%swap3A_46, %swap3A_47, %swap3A_48], %swap3A_51 {strides = array<i32>} : memref<1x4x5120xf32, #tpu.memory_space<vmem>>, vector<1x1x5120xf32>,
    %swap3A_52 = arith.constant 0 : index
    %swap3A_53 = arith.constant 2 : index
    %swap3A_54 = arith.constant 0 : index
    %swap3A_55 = vector.load %arg4[%swap3A_52, %swap3A_53, %swap3A_54] : memref<1x4x5120xf32, #tpu.memory_space<vmem>>, vector<1x1x5120xf32>
    %swap3A_56 = vector.shape_cast %swap3A_55 : vector<1x1x5120xf32> to vector<1x5120xf32>
    %swap3A_57 = vector.shape_cast %min3A_33 : vector<1x5120xf32> to vector<1x1x5120xf32>
    tpu.vector_store %arg4[%swap3A_52, %swap3A_53, %swap3A_54], %swap3A_57 {strides = array<i32>} : memref<1x4x5120xf32, #tpu.memory_space<vmem>>, vector<1x1x5120xf32>,
    %swap3A_58 = arith.constant 0 : index
    %swap3A_59 = arith.constant 3 : index
    %swap3A_60 = arith.constant 0 : index
    %swap3A_61 = vector.load %arg4[%swap3A_58, %swap3A_59, %swap3A_60] : memref<1x4x5120xf32, #tpu.memory_space<vmem>>, vector<1x1x5120xf32>
    %swap3A_62 = vector.shape_cast %swap3A_61 : vector<1x1x5120xf32> to vector<1x5120xf32>
    %swap3A_63 = vector.shape_cast %min3A_40 : vector<1x5120xf32> to vector<1x1x5120xf32>
    tpu.vector_store %arg4[%swap3A_58, %swap3A_59, %swap3A_60], %swap3A_63 {strides = array<i32>} : memref<1x4x5120xf32, #tpu.memory_space<vmem>>, vector<1x1x5120xf32>,
    %get3A_64 = arith.constant 0 : index
    %get3A_65 = arith.constant 0 : index
    %get3A_66 = arith.constant 0 : index
    %get3A_67 = vector.load %arg3[%get3A_64, %get3A_65, %get3A_66] : memref<1x80x5120xf32, #tpu.memory_space<vmem>>, vector<1x1x5120xf32>
    %get3A_68 = vector.shape_cast %get3A_67 : vector<1x1x5120xf32> to vector<1x5120xf32>
    %broadcast_in_dim3A = arith.constant 0 : i32
    %broadcast_in_dim3A_69 = vector.broadcast %broadcast_in_dim3A : i32 to vector<1x5120xi32>
    %get3A_70 = arith.constant 0 : index
    %get3A_71 = arith.constant 1 : index
    %get3A_72 = arith.constant 0 : index
    %get3A_73 = vector.load %arg3[%get3A_70, %get3A_71, %get3A_72] : memref<1x80x5120xf32, #tpu.memory_space<vmem>>, vector<1x1x5120xf32>
    %get3A_74 = vector.shape_cast %get3A_73 : vector<1x1x5120xf32> to vector<1x5120xf32>
    %gt3A = arith.cmpf ogt, %get3A_74, %get3A_68 : vector<1x5120xf32>
    %select_n3A = arith.select %gt3A, %get3A_74, %get3A_68 : vector<1x5120xi1>, vector<1x5120xf32>
    %jit3A_75 = arith.constant 1 : i32
    %broadcast_in_dim3A_76 = vector.broadcast %jit3A_75 : i32 to vector<1x5120xi32>
    %select_n3A_77 = arith.select %gt3A, %broadcast_in_dim3A_76, %broadcast_in_dim3A_69 : vector<1x5120xi1>, vector<1x5120xi32>
    %get3A_78 = arith.constant 0 : index
    %get3A_79 = arith.constant 2 : index
    %get3A_80 = arith.constant 0 : index
    %get3A_81 = vector.load %arg3[%get3A_78, %get3A_79, %get3A_80] : memref<1x80x5120xf32, #tpu.memory_space<vmem>>, vector<1x1x5120xf32>
    %get3A_82 = vector.shape_cast %get3A_81 : vector<1x1x5120xf32> to vector<1x5120xf32>
    %gt3A_83 = arith.cmpf ogt, %get3A_82, %select_n3A : vector<1x5120xf32>
    %select_n3A_84 = arith.select %gt3A_83, %get3A_82, %select_n3A : vector<1x5120xi1>, vector<1x5120xf32>
    %jit3A_85 = arith.constant 2 : i32
    %broadcast_in_dim3A_86 = vector.broadcast %jit3A_85 : i32 to vector<1x5120xi32>
    %select_n3A_87 = arith.select %gt3A_83, %broadcast_in_dim3A_86, %select_n3A_77 : vector<1x5120xi1>, vector<1x5120xi32>
    %get3A_88 = arith.constant 0 : index
    %get3A_89 = arith.constant 3 : index
    %get3A_90 = arith.constant 0 : index
    %get3A_91 = vector.load %arg3[%get3A_88, %get3A_89, %get3A_90] : memref<1x80x5120xf32, #tpu.memory_space<vmem>>, vector<1x1x5120xf32>
    %get3A_92 = vector.shape_cast %get3A_91 : vector<1x1x5120xf32> to vector<1x5120xf32>
    %gt3A_93 = arith.cmpf ogt, %get3A_92, %select_n3A_84 : vector<1x5120xf32>
    %select_n3A_94 = arith.select %gt3A_93, %get3A_92, %select_n3A_84 : vector<1x5120xi1>, vector<1x5120xf32>
    %jit3A_95 = arith.constant 3 : i32
    %broadcast_in_dim3A_96 = vector.broadcast %jit3A_95 : i32 to vector<1x5120xi32>
    %select_n3A_97 = arith.select %gt3A_93, %broadcast_in_dim3A_96, %select_n3A_87 : vector<1x5120xi1>, vector<1x5120xi32>
    %get3A_98 = arith.constant 0 : index
    %get3A_99 = arith.constant 4 : index
    %get3A_100 = arith.constant 0 : index
    %get3A_101 = vector.load %arg3[%get3A_98, %get3A_99, %get3A_100] : memref<1x80x5120xf32, #tpu.memory_space<vmem>>, vector<1x1x5120xf32>
    %get3A_102 = vector.shape_cast %get3A_101 : vector<1x1x5120xf32> to vector<1x5120xf32>
    %gt3A_103 = arith.cmpf ogt, %get3A_102, %select_n3A_94 : vector<1x5120xf32>
    %select_n3A_104 = arith.select %gt3A_103, %get3A_102, %select_n3A_94 : vector<1x5120xi1>, vector<1x5120xf32>
    %jit3A_105 = arith.constant 4 : i32
    %broadcast_in_dim3A_106 = vector.broadcast %jit3A_105 : i32 to vector<1x5120xi32>
    %select_n3A_107 = arith.select %gt3A_103, %broadcast_in_dim3A_106, %select_n3A_97 : vector<1x5120xi1>, vector<1x5120xi32>
    %get3A_108 = arith.constant 0 : index
    %get3A_109 = arith.constant 5 : index
    %get3A_110 = arith.constant 0 : index
    %get3A_111 = vector.load %arg3[%get3A_108, %get3A_109, %get3A_110] : memref<1x80x5120xf32, #tpu.memory_space<vmem>>, vector<1x1x5120xf32>
    %get3A_112 = vector.shape_cast %get3A_111 : vector<1x1x5120xf32> to vector<1x5120xf32>
    %gt3A_113 = arith.cmpf ogt, %get3A_112, %select_n3A_104 : vector<1x5120xf32>
    %select_n3A_114 = arith.select %gt3A_113, %get3A_112, %select_n3A_104 : vector<1x5120xi1>, vector<1x5120xf32>
    %jit3A_115 = arith.constant 5 : i32
    %broadcast_in_dim3A_116 = vector.broadcast %jit3A_115 : i32 to vector<1x5120xi32>
    %select_n3A_117 = arith.select %gt3A_113, %broadcast_in_dim3A_116, %select_n3A_107 : vector<1x5120xi1>, vector<1x5120xi32>
    %get3A_118 = arith.constant 0 : index
    %get3A_119 = arith.constant 6 : index
    %get3A_120 = arith.constant 0 : index
    %get3A_121 = vector.load %arg3[%get3A_118, %get3A_119, %get3A_120] : memref<1x80x5120xf32, #tpu.memory_space<vmem>>, vector<1x1x5120xf32>
    %get3A_122 = vector.shape_cast %get3A_121 : vector<1x1x5120xf32> to vector<1x5120xf32>
    %gt3A_123 = arith.cmpf ogt, %get3A_122, %select_n3A_114 : vector<1x5120xf32>
    %select_n3A_124 = arith.select %gt3A_123, %get3A_122, %select_n3A_114 : vector<1x5120xi1>, vector<1x5120xf32>
    %jit3A_125 = arith.constant 6 : i32
    %broadcast_in_dim3A_126 = vector.broadcast %jit3A_125 : i32 to vector<1x5120xi32>
    %select_n3A_127 = arith.select %gt3A_123, %broadcast_in_dim3A_126, %select_n3A_117 : vector<1x5120xi1>, vector<1x5120xi32>
    %get3A_128 = arith.constant 0 : index
    %get3A_129 = arith.constant 7 : index
    %get3A_130 = arith.constant 0 : index
    %get3A_131 = vector.load %arg3[%get3A_128, %get3A_129, %get3A_130] : memref<1x80x5120xf32, #tpu.memory_space<vmem>>, vector<1x1x5120xf32>
    %get3A_132 = vector.shape_cast %get3A_131 : vector<1x1x5120xf32> to vector<1x5120xf32>
    %gt3A_133 = arith.cmpf ogt, %get3A_132, %select_n3A_124 : vector<1x5120xf32>
    %select_n3A_134 = arith.select %gt3A_133, %get3A_132, %select_n3A_124 : vector<1x5120xi1>, vector<1x5120xf32>
    %jit3A_135 = arith.constant 7 : i32
    %broadcast_in_dim3A_136 = vector.broadcast %jit3A_135 : i32 to vector<1x5120xi32>
    %select_n3A_137 = arith.select %gt3A_133, %broadcast_in_dim3A_136, %select_n3A_127 : vector<1x5120xi1>, vector<1x5120xi32>
    %get3A_138 = arith.constant 0 : index
    %get3A_139 = arith.constant 8 : index
    %get3A_140 = arith.constant 0 : index
    %get3A_141 = vector.load %arg3[%get3A_138, %get3A_139, %get3A_140] : memref<1x80x5120xf32, #tpu.memory_space<vmem>>, vector<1x1x5120xf32>
    %get3A_142 = vector.shape_cast %get3A_141 : vector<1x1x5120xf32> to vector<1x5120xf32>
    %gt3A_143 = arith.cmpf ogt, %get3A_142, %select_n3A_134 : vector<1x5120xf32>
    %select_n3A_144 = arith.select %gt3A_143, %get3A_142, %select_n3A_134 : vector<1x5120xi1>, vector<1x5120xf32>
    %jit3A_145 = arith.constant 8 : i32
    %broadcast_in_dim3A_146 = vector.broadcast %jit3A_145 : i32 to vector<1x5120xi32>
    %select_n3A_147 = arith.select %gt3A_143, %broadcast_in_dim3A_146, %select_n3A_137 : vector<1x5120xi1>, vector<1x5120xi32>
    %get3A_148 = arith.constant 0 : index
    %get3A_149 = arith.constant 9 : index
    %get3A_150 = arith.constant 0 : index
    %get3A_151 = vector.load %arg3[%get3A_148, %get3A_149, %get3A_150] : memref<1x80x5120xf32, #tpu.memory_space<vmem>>, vector<1x1x5120xf32>
    %get3A_152 = vector.shape_cast %get3A_151 : vector<1x1x5120xf32> to vector<1x5120xf32>
    %gt3A_153 = arith.cmpf ogt, %get3A_152, %select_n3A_144 : vector<1x5120xf32>
    %select_n3A_154 = arith.select %gt3A_153, %get3A_152, %select_n3A_144 : vector<1x5120xi1>, vector<1x5120xf32>
    %jit3A_155 = arith.constant 9 : i32
    %broadcast_in_dim3A_156 = vector.broadcast %jit3A_155 : i32 to vector<1x5120xi32>
    %select_n3A_157 = arith.select %gt3A_153, %broadcast_in_dim3A_156, %select_n3A_147 : vector<1x5120xi1>, vector<1x5120xi32>
    %get3A_158 = arith.constant 0 : index
    %get3A_159 = arith.constant 10 : index
    %get3A_160 = arith.constant 0 : index
    %get3A_161 = vector.load %arg3[%get3A_158, %get3A_159, %get3A_160] : memref<1x80x5120xf32, #tpu.memory_space<vmem>>, vector<1x1x5120xf32>
    %get3A_162 = vector.shape_cast %get3A_161 : vector<1x1x5120xf32> to vector<1x5120xf32>
    %gt3A_163 = arith.cmpf ogt, %get3A_162, %select_n3A_154 : vector<1x5120xf32>
    %select_n3A_164 = arith.select %gt3A_163, %get3A_162, %select_n3A_154 : vector<1x5120xi1>, vector<1x5120xf32>
    %jit3A_165 = arith.constant 10 : i32
    %broadcast_in_dim3A_166 = vector.broadcast %jit3A_165 : i32 to vector<1x5120xi32>
    %select_n3A_167 = arith.select %gt3A_163, %broadcast_in_dim3A_166, %select_n3A_157 : vector<1x5120xi1>, vector<1x5120xi32>
    %get3A_168 = arith.constant 0 : index
    %get3A_169 = arith.constant 11 : index
    %get3A_170 = arith.constant 0 : index
    %get3A_171 = vector.load %arg3[%get3A_168, %get3A_169, %get3A_170] : memref<1x80x5120xf32, #tpu.memory_space<vmem>>, vector<1x1x5120xf32>
    %get3A_172 = vector.shape_cast %get3A_171 : vector<1x1x5120xf32> to vector<1x5120xf32>
    %gt3A_173 = arith.cmpf ogt, %get3A_172, %select_n3A_164 : vector<1x5120xf32>
    %select_n3A_174 = arith.select %gt3A_173, %get3A_172, %select_n3A_164 : vector<1x5120xi1>, vector<1x5120xf32>
    %jit3A_175 = arith.constant 11 : i32
    %broadcast_in_dim3A_176 = vector.broadcast %jit3A_175 : i32 to vector<1x5120xi32>
    %select_n3A_177 = arith.select %gt3A_173, %broadcast_in_dim3A_176, %select_n3A_167 : vector<1x5120xi1>, vector<1x5120xi32>
    %get3A_178 = arith.constant 0 : index
    %get3A_179 = arith.constant 12 : index
    %get3A_180 = arith.constant 0 : index
    %get3A_181 = vector.load %arg3[%get3A_178, %get3A_179, %get3A_180] : memref<1x80x5120xf32, #tpu.memory_space<vmem>>, vector<1x1x5120xf32>
    %get3A_182 = vector.shape_cast %get3A_181 : vector<1x1x5120xf32> to vector<1x5120xf32>
    %gt3A_183 = arith.cmpf ogt, %get3A_182, %select_n3A_174 : vector<1x5120xf32>
    %select_n3A_184 = arith.select %gt3A_183, %get3A_182, %select_n3A_174 : vector<1x5120xi1>, vector<1x5120xf32>
    %jit3A_185 = arith.constant 12 : i32
    %broadcast_in_dim3A_186 = vector.broadcast %jit3A_185 : i32 to vector<1x5120xi32>
    %select_n3A_187 = arith.select %gt3A_183, %broadcast_in_dim3A_186, %select_n3A_177 : vector<1x5120xi1>, vector<1x5120xi32>
    %get3A_188 = arith.constant 0 : index
    %get3A_189 = arith.constant 13 : index
    %get3A_190 = arith.constant 0 : index
    %get3A_191 = vector.load %arg3[%get3A_188, %get3A_189, %get3A_190] : memref<1x80x5120xf32, #tpu.memory_space<vmem>>, vector<1x1x5120xf32>
    %get3A_192 = vector.shape_cast %get3A_191 : vector<1x1x5120xf32> to vector<1x5120xf32>
    %gt3A_193 = arith.cmpf ogt, %get3A_192, %select_n3A_184 : vector<1x5120xf32>
    %select_n3A_194 = arith.select %gt3A_193, %get3A_192, %select_n3A_184 : vector<1x5120xi1>, vector<1x5120xf32>
    %jit3A_195 = arith.constant 13 : i32
    %broadcast_in_dim3A_196 = vector.broadcast %jit3A_195 : i32 to vector<1x5120xi32>
    %select_n3A_197 = arith.select %gt3A_193, %broadcast_in_dim3A_196, %select_n3A_187 : vector<1x5120xi1>, vector<1x5120xi32>
    %get3A_198 = arith.constant 0 : index
    %get3A_199 = arith.constant 14 : index
    %get3A_200 = arith.constant 0 : index
    %get3A_201 = vector.load %arg3[%get3A_198, %get3A_199, %get3A_200] : memref<1x80x5120xf32, #tpu.memory_space<vmem>>, vector<1x1x5120xf32>
    %get3A_202 = vector.shape_cast %get3A_201 : vector<1x1x5120xf32> to vector<1x5120xf32>
    %gt3A_203 = arith.cmpf ogt, %get3A_202, %select_n3A_194 : vector<1x5120xf32>
    %select_n3A_204 = arith.select %gt3A_203, %get3A_202, %select_n3A_194 : vector<1x5120xi1>, vector<1x5120xf32>
    %jit3A_205 = arith.constant 14 : i32
    %broadcast_in_dim3A_206 = vector.broadcast %jit3A_205 : i32 to vector<1x5120xi32>
    %select_n3A_207 = arith.select %gt3A_203, %broadcast_in_dim3A_206, %select_n3A_197 : vector<1x5120xi1>, vector<1x5120xi32>
    %get3A_208 = arith.constant 0 : index
    %get3A_209 = arith.constant 15 : index
    %get3A_210 = arith.constant 0 : index
    %get3A_211 = vector.load %arg3[%get3A_208, %get3A_209, %get3A_210] : memref<1x80x5120xf32, #tpu.memory_space<vmem>>, vector<1x1x5120xf32>
    %get3A_212 = vector.shape_cast %get3A_211 : vector<1x1x5120xf32> to vector<1x5120xf32>
    %gt3A_213 = arith.cmpf ogt, %get3A_212, %select_n3A_204 : vector<1x5120xf32>
    %select_n3A_214 = arith.select %gt3A_213, %get3A_212, %select_n3A_204 : vector<1x5120xi1>, vector<1x5120xf32>
    %jit3A_215 = arith.constant 15 : i32
    %broadcast_in_dim3A_216 = vector.broadcast %jit3A_215 : i32 to vector<1x5120xi32>
    %select_n3A_217 = arith.select %gt3A_213, %broadcast_in_dim3A_216, %select_n3A_207 : vector<1x5120xi1>, vector<1x5120xi32>
    %get3A_218 = arith.constant 0 : index
    %get3A_219 = arith.constant 16 : index
    %get3A_220 = arith.constant 0 : index
    %get3A_221 = vector.load %arg3[%get3A_218, %get3A_219, %get3A_220] : memref<1x80x5120xf32, #tpu.memory_space<vmem>>, vector<1x1x5120xf32>
    %get3A_222 = vector.shape_cast %get3A_221 : vector<1x1x5120xf32> to vector<1x5120xf32>
    %gt3A_223 = arith.cmpf ogt, %get3A_222, %select_n3A_214 : vector<1x5120xf32>
    %select_n3A_224 = arith.select %gt3A_223, %get3A_222, %select_n3A_214 : vector<1x5120xi1>, vector<1x5120xf32>
    %jit3A_225 = arith.constant 16 : i32
    %broadcast_in_dim3A_226 = vector.broadcast %jit3A_225 : i32 to vector<1x5120xi32>
    %select_n3A_227 = arith.select %gt3A_223, %broadcast_in_dim3A_226, %select_n3A_217 : vector<1x5120xi1>, vector<1x5120xi32>
    %get3A_228 = arith.constant 0 : index
    %get3A_229 = arith.constant 17 : index
    %get3A_230 = arith.constant 0 : index
    %get3A_231 = vector.load %arg3[%get3A_228, %get3A_229, %get3A_230] : memref<1x80x5120xf32, #tpu.memory_space<vmem>>, vector<1x1x5120xf32>
    %get3A_232 = vector.shape_cast %get3A_231 : vector<1x1x5120xf32> to vector<1x5120xf32>
    %gt3A_233 = arith.cmpf ogt, %get3A_232, %select_n3A_224 : vector<1x5120xf32>
    %select_n3A_234 = arith.select %gt3A_233, %get3A_232, %select_n3A_224 : vector<1x5120xi1>, vector<1x5120xf32>
    %jit3A_235 = arith.constant 17 : i32
    %broadcast_in_dim3A_236 = vector.broadcast %jit3A_235 : i32 to vector<1x5120xi32>
    %select_n3A_237 = arith.select %gt3A_233, %broadcast_in_dim3A_236, %select_n3A_227 : vector<1x5120xi1>, vector<1x5120xi32>
    %get3A_238 = arith.constant 0 : index
    %get3A_239 = arith.constant 18 : index
    %get3A_240 = arith.constant 0 : index
    %get3A_241 = vector.load %arg3[%get3A_238, %get3A_239, %get3A_240] : memref<1x80x5120xf32, #tpu.memory_space<vmem>>, vector<1x1x5120xf32>
    %get3A_242 = vector.shape_cast %get3A_241 : vector<1x1x5120xf32> to vector<1x5120xf32>
    %gt3A_243 = arith.cmpf ogt, %get3A_242, %select_n3A_234 : vector<1x5120xf32>
    %select_n3A_244 = arith.select %gt3A_243, %get3A_242, %select_n3A_234 : vector<1x5120xi1>, vector<1x5120xf32>
    %jit3A_245 = arith.constant 18 : i32
    %broadcast_in_dim3A_246 = vector.broadcast %jit3A_245 : i32 to vector<1x5120xi32>
    %select_n3A_247 = arith.select %gt3A_243, %broadcast_in_dim3A_246, %select_n3A_237 : vector<1x5120xi1>, vector<1x5120xi32>
    %get3A_248 = arith.constant 0 : index
    %get3A_249 = arith.constant 19 : index
    %get3A_250 = arith.constant 0 : index
    %get3A_251 = vector.load %arg3[%get3A_248, %get3A_249, %get3A_250] : memref<1x80x5120xf32, #tpu.memory_space<vmem>>, vector<1x1x5120xf32>
    %get3A_252 = vector.shape_cast %get3A_251 : vector<1x1x5120xf32> to vector<1x5120xf32>
    %gt3A_253 = arith.cmpf ogt, %get3A_252, %select_n3A_244 : vector<1x5120xf32>
    %select_n3A_254 = arith.select %gt3A_253, %get3A_252, %select_n3A_244 : vector<1x5120xi1>, vector<1x5120xf32>
    %jit3A_255 = arith.constant 19 : i32
    %broadcast_in_dim3A_256 = vector.broadcast %jit3A_255 : i32 to vector<1x5120xi32>
    %select_n3A_257 = arith.select %gt3A_253, %broadcast_in_dim3A_256, %select_n3A_247 : vector<1x5120xi1>, vector<1x5120xi32>
    %get3A_258 = arith.constant 0 : index
    %get3A_259 = arith.constant 20 : index
    %get3A_260 = arith.constant 0 : index
    %get3A_261 = vector.load %arg3[%get3A_258, %get3A_259, %get3A_260] : memref<1x80x5120xf32, #tpu.memory_space<vmem>>, vector<1x1x5120xf32>
    %get3A_262 = vector.shape_cast %get3A_261 : vector<1x1x5120xf32> to vector<1x5120xf32>
    %gt3A_263 = arith.cmpf ogt, %get3A_262, %select_n3A_254 : vector<1x5120xf32>
    %select_n3A_264 = arith.select %gt3A_263, %get3A_262, %select_n3A_254 : vector<1x5120xi1>, vector<1x5120xf32>
    %jit3A_265 = arith.constant 20 : i32
    %broadcast_in_dim3A_266 = vector.broadcast %jit3A_265 : i32 to vector<1x5120xi32>
    %select_n3A_267 = arith.select %gt3A_263, %broadcast_in_dim3A_266, %select_n3A_257 : vector<1x5120xi1>, vector<1x5120xi32>
    %get3A_268 = arith.constant 0 : index
    %get3A_269 = arith.constant 21 : index
    %get3A_270 = arith.constant 0 : index
    %get3A_271 = vector.load %arg3[%get3A_268, %get3A_269, %get3A_270] : memref<1x80x5120xf32, #tpu.memory_space<vmem>>, vector<1x1x5120xf32>
    %get3A_272 = vector.shape_cast %get3A_271 : vector<1x1x5120xf32> to vector<1x5120xf32>
    %gt3A_273 = arith.cmpf ogt, %get3A_272, %select_n3A_264 : vector<1x5120xf32>
    %select_n3A_274 = arith.select %gt3A_273, %get3A_272, %select_n3A_264 : vector<1x5120xi1>, vector<1x5120xf32>
    %jit3A_275 = arith.constant 21 : i32
    %broadcast_in_dim3A_276 = vector.broadcast %jit3A_275 : i32 to vector<1x5120xi32>
    %select_n3A_277 = arith.select %gt3A_273, %broadcast_in_dim3A_276, %select_n3A_267 : vector<1x5120xi1>, vector<1x5120xi32>
    %get3A_278 = arith.constant 0 : index
    %get3A_279 = arith.constant 22 : index
    %get3A_280 = arith.constant 0 : index
    %get3A_281 = vector.load %arg3[%get3A_278, %get3A_279, %get3A_280] : memref<1x80x5120xf32, #tpu.memory_space<vmem>>, vector<1x1x5120xf32>
    %get3A_282 = vector.shape_cast %get3A_281 : vector<1x1x5120xf32> to vector<1x5120xf32>
    %gt3A_283 = arith.cmpf ogt, %get3A_282, %select_n3A_274 : vector<1x5120xf32>
    %select_n3A_284 = arith.select %gt3A_283, %get3A_282, %select_n3A_274 : vector<1x5120xi1>, vector<1x5120xf32>
    %jit3A_285 = arith.constant 22 : i32
    %broadcast_in_dim3A_286 = vector.broadcast %jit3A_285 : i32 to vector<1x5120xi32>
    %select_n3A_287 = arith.select %gt3A_283, %broadcast_in_dim3A_286, %select_n3A_277 : vector<1x5120xi1>, vector<1x5120xi32>
    %get3A_288 = arith.constant 0 : index
    %get3A_289 = arith.constant 23 : index
    %get3A_290 = arith.constant 0 : index
    %get3A_291 = vector.load %arg3[%get3A_288, %get3A_289, %get3A_290] : memref<1x80x5120xf32, #tpu.memory_space<vmem>>, vector<1x1x5120xf32>
    %get3A_292 = vector.shape_cast %get3A_291 : vector<1x1x5120xf32> to vector<1x5120xf32>
    %gt3A_293 = arith.cmpf ogt, %get3A_292, %select_n3A_284 : vector<1x5120xf32>
    %select_n3A_294 = arith.select %gt3A_293, %get3A_292, %select_n3A_284 : vector<1x5120xi1>, vector<1x5120xf32>
    %jit3A_295 = arith.constant 23 : i32
    %broadcast_in_dim3A_296 = vector.broadcast %jit3A_295 : i32 to vector<1x5120xi32>
    %select_n3A_297 = arith.select %gt3A_293, %broadcast_in_dim3A_296, %select_n3A_287 : vector<1x5120xi1>, vector<1x5120xi32>
    %get3A_298 = arith.constant 0 : index
    %get3A_299 = arith.constant 24 : index
    %get3A_300 = arith.constant 0 : index
    %get3A_301 = vector.load %arg3[%get3A_298, %get3A_299, %get3A_300] : memref<1x80x5120xf32, #tpu.memory_space<vmem>>, vector<1x1x5120xf32>
    %get3A_302 = vector.shape_cast %get3A_301 : vector<1x1x5120xf32> to vector<1x5120xf32>
    %gt3A_303 = arith.cmpf ogt, %get3A_302, %select_n3A_294 : vector<1x5120xf32>
    %select_n3A_304 = arith.select %gt3A_303, %get3A_302, %select_n3A_294 : vector<1x5120xi1>, vector<1x5120xf32>
    %jit3A_305 = arith.constant 24 : i32
    %broadcast_in_dim3A_306 = vector.broadcast %jit3A_305 : i32 to vector<1x5120xi32>
    %select_n3A_307 = arith.select %gt3A_303, %broadcast_in_dim3A_306, %select_n3A_297 : vector<1x5120xi1>, vector<1x5120xi32>
    %get3A_308 = arith.constant 0 : index
    %get3A_309 = arith.constant 25 : index
    %get3A_310 = arith.constant 0 : index
    %get3A_311 = vector.load %arg3[%get3A_308, %get3A_309, %get3A_310] : memref<1x80x5120xf32, #tpu.memory_space<vmem>>, vector<1x1x5120xf32>
    %get3A_312 = vector.shape_cast %get3A_311 : vector<1x1x5120xf32> to vector<1x5120xf32>
    %gt3A_313 = arith.cmpf ogt, %get3A_312, %select_n3A_304 : vector<1x5120xf32>
    %select_n3A_314 = arith.select %gt3A_313, %get3A_312, %select_n3A_304 : vector<1x5120xi1>, vector<1x5120xf32>
    %jit3A_315 = arith.constant 25 : i32
    %broadcast_in_dim3A_316 = vector.broadcast %jit3A_315 : i32 to vector<1x5120xi32>
    %select_n3A_317 = arith.select %gt3A_313, %broadcast_in_dim3A_316, %select_n3A_307 : vector<1x5120xi1>, vector<1x5120xi32>
    %get3A_318 = arith.constant 0 : index
    %get3A_319 = arith.constant 26 : index
    %get3A_320 = arith.constant 0 : index
    %get3A_321 = vector.load %arg3[%get3A_318, %get3A_319, %get3A_320] : memref<1x80x5120xf32, #tpu.memory_space<vmem>>, vector<1x1x5120xf32>
    %get3A_322 = vector.shape_cast %get3A_321 : vector<1x1x5120xf32> to vector<1x5120xf32>
    %gt3A_323 = arith.cmpf ogt, %get3A_322, %select_n3A_314 : vector<1x5120xf32>
    %select_n3A_324 = arith.select %gt3A_323, %get3A_322, %select_n3A_314 : vector<1x5120xi1>, vector<1x5120xf32>
    %jit3A_325 = arith.constant 26 : i32
    %broadcast_in_dim3A_326 = vector.broadcast %jit3A_325 : i32 to vector<1x5120xi32>
    %select_n3A_327 = arith.select %gt3A_323, %broadcast_in_dim3A_326, %select_n3A_317 : vector<1x5120xi1>, vector<1x5120xi32>
    %get3A_328 = arith.constant 0 : index
    %get3A_329 = arith.constant 27 : index
    %get3A_330 = arith.constant 0 : index
    %get3A_331 = vector.load %arg3[%get3A_328, %get3A_329, %get3A_330] : memref<1x80x5120xf32, #tpu.memory_space<vmem>>, vector<1x1x5120xf32>
    %get3A_332 = vector.shape_cast %get3A_331 : vector<1x1x5120xf32> to vector<1x5120xf32>
    %gt3A_333 = arith.cmpf ogt, %get3A_332, %select_n3A_324 : vector<1x5120xf32>
    %select_n3A_334 = arith.select %gt3A_333, %get3A_332, %select_n3A_324 : vector<1x5120xi1>, vector<1x5120xf32>
    %jit3A_335 = arith.constant 27 : i32
    %broadcast_in_dim3A_336 = vector.broadcast %jit3A_335 : i32 to vector<1x5120xi32>
    %select_n3A_337 = arith.select %gt3A_333, %broadcast_in_dim3A_336, %select_n3A_327 : vector<1x5120xi1>, vector<1x5120xi32>
    %get3A_338 = arith.constant 0 : index
    %get3A_339 = arith.constant 28 : index
    %get3A_340 = arith.constant 0 : index
    %get3A_341 = vector.load %arg3[%get3A_338, %get3A_339, %get3A_340] : memref<1x80x5120xf32, #tpu.memory_space<vmem>>, vector<1x1x5120xf32>
    %get3A_342 = vector.shape_cast %get3A_341 : vector<1x1x5120xf32> to vector<1x5120xf32>
    %gt3A_343 = arith.cmpf ogt, %get3A_342, %select_n3A_334 : vector<1x5120xf32>
    %select_n3A_344 = arith.select %gt3A_343, %get3A_342, %select_n3A_334 : vector<1x5120xi1>, vector<1x5120xf32>
    %jit3A_345 = arith.constant 28 : i32
    %broadcast_in_dim3A_346 = vector.broadcast %jit3A_345 : i32 to vector<1x5120xi32>
    %select_n3A_347 = arith.select %gt3A_343, %broadcast_in_dim3A_346, %select_n3A_337 : vector<1x5120xi1>, vector<1x5120xi32>
    %get3A_348 = arith.constant 0 : index
    %get3A_349 = arith.constant 29 : index
    %get3A_350 = arith.constant 0 : index
    %get3A_351 = vector.load %arg3[%get3A_348, %get3A_349, %get3A_350] : memref<1x80x5120xf32, #tpu.memory_space<vmem>>, vector<1x1x5120xf32>
    %get3A_352 = vector.shape_cast %get3A_351 : vector<1x1x5120xf32> to vector<1x5120xf32>
    %gt3A_353 = arith.cmpf ogt, %get3A_352, %select_n3A_344 : vector<1x5120xf32>
    %select_n3A_354 = arith.select %gt3A_353, %get3A_352, %select_n3A_344 : vector<1x5120xi1>, vector<1x5120xf32>
    %jit3A_355 = arith.constant 29 : i32
    %broadcast_in_dim3A_356 = vector.broadcast %jit3A_355 : i32 to vector<1x5120xi32>
    %select_n3A_357 = arith.select %gt3A_353, %broadcast_in_dim3A_356, %select_n3A_347 : vector<1x5120xi1>, vector<1x5120xi32>
    %get3A_358 = arith.constant 0 : index
    %get3A_359 = arith.constant 30 : index
    %get3A_360 = arith.constant 0 : index
    %get3A_361 = vector.load %arg3[%get3A_358, %get3A_359, %get3A_360] : memref<1x80x5120xf32, #tpu.memory_space<vmem>>, vector<1x1x5120xf32>
    %get3A_362 = vector.shape_cast %get3A_361 : vector<1x1x5120xf32> to vector<1x5120xf32>
    %gt3A_363 = arith.cmpf ogt, %get3A_362, %select_n3A_354 : vector<1x5120xf32>
    %select_n3A_364 = arith.select %gt3A_363, %get3A_362, %select_n3A_354 : vector<1x5120xi1>, vector<1x5120xf32>
    %jit3A_365 = arith.constant 30 : i32
    %broadcast_in_dim3A_366 = vector.broadcast %jit3A_365 : i32 to vector<1x5120xi32>
    %select_n3A_367 = arith.select %gt3A_363, %broadcast_in_dim3A_366, %select_n3A_357 : vector<1x5120xi1>, vector<1x5120xi32>
    %get3A_368 = arith.constant 0 : index
    %get3A_369 = arith.constant 31 : index
    %get3A_370 = arith.constant 0 : index
    %get3A_371 = vector.load %arg3[%get3A_368, %get3A_369, %get3A_370] : memref<1x80x5120xf32, #tpu.memory_space<vmem>>, vector<1x1x5120xf32>
    %get3A_372 = vector.shape_cast %get3A_371 : vector<1x1x5120xf32> to vector<1x5120xf32>
    %gt3A_373 = arith.cmpf ogt, %get3A_372, %select_n3A_364 : vector<1x5120xf32>
    %select_n3A_374 = arith.select %gt3A_373, %get3A_372, %select_n3A_364 : vector<1x5120xi1>, vector<1x5120xf32>
    %jit3A_375 = arith.constant 31 : i32
    %broadcast_in_dim3A_376 = vector.broadcast %jit3A_375 : i32 to vector<1x5120xi32>
    %select_n3A_377 = arith.select %gt3A_373, %broadcast_in_dim3A_376, %select_n3A_367 : vector<1x5120xi1>, vector<1x5120xi32>
    %get3A_378 = arith.constant 0 : index
    %get3A_379 = arith.constant 32 : index
    %get3A_380 = arith.constant 0 : index
    %get3A_381 = vector.load %arg3[%get3A_378, %get3A_379, %get3A_380] : memref<1x80x5120xf32, #tpu.memory_space<vmem>>, vector<1x1x5120xf32>
    %get3A_382 = vector.shape_cast %get3A_381 : vector<1x1x5120xf32> to vector<1x5120xf32>
    %gt3A_383 = arith.cmpf ogt, %get3A_382, %select_n3A_374 : vector<1x5120xf32>
    %select_n3A_384 = arith.select %gt3A_383, %get3A_382, %select_n3A_374 : vector<1x5120xi1>, vector<1x5120xf32>
    %jit3A_385 = arith.constant 32 : i32
    %broadcast_in_dim3A_386 = vector.broadcast %jit3A_385 : i32 to vector<1x5120xi32>
    %select_n3A_387 = arith.select %gt3A_383, %broadcast_in_dim3A_386, %select_n3A_377 : vector<1x5120xi1>, vector<1x5120xi32>
    %get3A_388 = arith.constant 0 : index
    %get3A_389 = arith.constant 33 : index
    %get3A_390 = arith.constant 0 : index
    %get3A_391 = vector.load %arg3[%get3A_388, %get3A_389, %get3A_390] : memref<1x80x5120xf32, #tpu.memory_space<vmem>>, vector<1x1x5120xf32>
    %get3A_392 = vector.shape_cast %get3A_391 : vector<1x1x5120xf32> to vector<1x5120xf32>
    %gt3A_393 = arith.cmpf ogt, %get3A_392, %select_n3A_384 : vector<1x5120xf32>
    %select_n3A_394 = arith.select %gt3A_393, %get3A_392, %select_n3A_384 : vector<1x5120xi1>, vector<1x5120xf32>
    %jit3A_395 = arith.constant 33 : i32
    %broadcast_in_dim3A_396 = vector.broadcast %jit3A_395 : i32 to vector<1x5120xi32>
    %select_n3A_397 = arith.select %gt3A_393, %broadcast_in_dim3A_396, %select_n3A_387 : vector<1x5120xi1>, vector<1x5120xi32>
    %get3A_398 = arith.constant 0 : index
    %get3A_399 = arith.constant 34 : index
    %get3A_400 = arith.constant 0 : index
    %get3A_401 = vector.load %arg3[%get3A_398, %get3A_399, %get3A_400] : memref<1x80x5120xf32, #tpu.memory_space<vmem>>, vector<1x1x5120xf32>
    %get3A_402 = vector.shape_cast %get3A_401 : vector<1x1x5120xf32> to vector<1x5120xf32>
    %gt3A_403 = arith.cmpf ogt, %get3A_402, %select_n3A_394 : vector<1x5120xf32>
    %select_n3A_404 = arith.select %gt3A_403, %get3A_402, %select_n3A_394 : vector<1x5120xi1>, vector<1x5120xf32>
    %jit3A_405 = arith.constant 34 : i32
    %broadcast_in_dim3A_406 = vector.broadcast %jit3A_405 : i32 to vector<1x5120xi32>
    %select_n3A_407 = arith.select %gt3A_403, %broadcast_in_dim3A_406, %select_n3A_397 : vector<1x5120xi1>, vector<1x5120xi32>
    %get3A_408 = arith.constant 0 : index
    %get3A_409 = arith.constant 35 : index
    %get3A_410 = arith.constant 0 : index
    %get3A_411 = vector.load %arg3[%get3A_408, %get3A_409, %get3A_410] : memref<1x80x5120xf32, #tpu.memory_space<vmem>>, vector<1x1x5120xf32>
    %get3A_412 = vector.shape_cast %get3A_411 : vector<1x1x5120xf32> to vector<1x5120xf32>
    %gt3A_413 = arith.cmpf ogt, %get3A_412, %select_n3A_404 : vector<1x5120xf32>
    %select_n3A_414 = arith.select %gt3A_413, %get3A_412, %select_n3A_404 : vector<1x5120xi1>, vector<1x5120xf32>
    %jit3A_415 = arith.constant 35 : i32
    %broadcast_in_dim3A_416 = vector.broadcast %jit3A_415 : i32 to vector<1x5120xi32>
    %select_n3A_417 = arith.select %gt3A_413, %broadcast_in_dim3A_416, %select_n3A_407 : vector<1x5120xi1>, vector<1x5120xi32>
    %get3A_418 = arith.constant 0 : index
    %get3A_419 = arith.constant 36 : index
    %get3A_420 = arith.constant 0 : index
    %get3A_421 = vector.load %arg3[%get3A_418, %get3A_419, %get3A_420] : memref<1x80x5120xf32, #tpu.memory_space<vmem>>, vector<1x1x5120xf32>
    %get3A_422 = vector.shape_cast %get3A_421 : vector<1x1x5120xf32> to vector<1x5120xf32>
    %gt3A_423 = arith.cmpf ogt, %get3A_422, %select_n3A_414 : vector<1x5120xf32>
    %select_n3A_424 = arith.select %gt3A_423, %get3A_422, %select_n3A_414 : vector<1x5120xi1>, vector<1x5120xf32>
    %jit3A_425 = arith.constant 36 : i32
    %broadcast_in_dim3A_426 = vector.broadcast %jit3A_425 : i32 to vector<1x5120xi32>
    %select_n3A_427 = arith.select %gt3A_423, %broadcast_in_dim3A_426, %select_n3A_417 : vector<1x5120xi1>, vector<1x5120xi32>
    %get3A_428 = arith.constant 0 : index
    %get3A_429 = arith.constant 37 : index
    %get3A_430 = arith.constant 0 : index
    %get3A_431 = vector.load %arg3[%get3A_428, %get3A_429, %get3A_430] : memref<1x80x5120xf32, #tpu.memory_space<vmem>>, vector<1x1x5120xf32>
    %get3A_432 = vector.shape_cast %get3A_431 : vector<1x1x5120xf32> to vector<1x5120xf32>
    %gt3A_433 = arith.cmpf ogt, %get3A_432, %select_n3A_424 : vector<1x5120xf32>
    %select_n3A_434 = arith.select %gt3A_433, %get3A_432, %select_n3A_424 : vector<1x5120xi1>, vector<1x5120xf32>
    %jit3A_435 = arith.constant 37 : i32
    %broadcast_in_dim3A_436 = vector.broadcast %jit3A_435 : i32 to vector<1x5120xi32>
    %select_n3A_437 = arith.select %gt3A_433, %broadcast_in_dim3A_436, %select_n3A_427 : vector<1x5120xi1>, vector<1x5120xi32>
    %get3A_438 = arith.constant 0 : index
    %get3A_439 = arith.constant 38 : index
    %get3A_440 = arith.constant 0 : index
    %get3A_441 = vector.load %arg3[%get3A_438, %get3A_439, %get3A_440] : memref<1x80x5120xf32, #tpu.memory_space<vmem>>, vector<1x1x5120xf32>
    %get3A_442 = vector.shape_cast %get3A_441 : vector<1x1x5120xf32> to vector<1x5120xf32>
    %gt3A_443 = arith.cmpf ogt, %get3A_442, %select_n3A_434 : vector<1x5120xf32>
    %select_n3A_444 = arith.select %gt3A_443, %get3A_442, %select_n3A_434 : vector<1x5120xi1>, vector<1x5120xf32>
    %jit3A_445 = arith.constant 38 : i32
    %broadcast_in_dim3A_446 = vector.broadcast %jit3A_445 : i32 to vector<1x5120xi32>
    %select_n3A_447 = arith.select %gt3A_443, %broadcast_in_dim3A_446, %select_n3A_437 : vector<1x5120xi1>, vector<1x5120xi32>
    %get3A_448 = arith.constant 0 : index
    %get3A_449 = arith.constant 39 : index
    %get3A_450 = arith.constant 0 : index
    %get3A_451 = vector.load %arg3[%get3A_448, %get3A_449, %get3A_450] : memref<1x80x5120xf32, #tpu.memory_space<vmem>>, vector<1x1x5120xf32>
    %get3A_452 = vector.shape_cast %get3A_451 : vector<1x1x5120xf32> to vector<1x5120xf32>
    %gt3A_453 = arith.cmpf ogt, %get3A_452, %select_n3A_444 : vector<1x5120xf32>
    %select_n3A_454 = arith.select %gt3A_453, %get3A_452, %select_n3A_444 : vector<1x5120xi1>, vector<1x5120xf32>
    %jit3A_455 = arith.constant 39 : i32
    %broadcast_in_dim3A_456 = vector.broadcast %jit3A_455 : i32 to vector<1x5120xi32>
    %select_n3A_457 = arith.select %gt3A_453, %broadcast_in_dim3A_456, %select_n3A_447 : vector<1x5120xi1>, vector<1x5120xi32>
    %get3A_458 = arith.constant 0 : index
    %get3A_459 = arith.constant 40 : index
    %get3A_460 = arith.constant 0 : index
    %get3A_461 = vector.load %arg3[%get3A_458, %get3A_459, %get3A_460] : memref<1x80x5120xf32, #tpu.memory_space<vmem>>, vector<1x1x5120xf32>
    %get3A_462 = vector.shape_cast %get3A_461 : vector<1x1x5120xf32> to vector<1x5120xf32>
    %gt3A_463 = arith.cmpf ogt, %get3A_462, %select_n3A_454 : vector<1x5120xf32>
    %select_n3A_464 = arith.select %gt3A_463, %get3A_462, %select_n3A_454 : vector<1x5120xi1>, vector<1x5120xf32>
    %jit3A_465 = arith.constant 40 : i32
    %broadcast_in_dim3A_466 = vector.broadcast %jit3A_465 : i32 to vector<1x5120xi32>
    %select_n3A_467 = arith.select %gt3A_463, %broadcast_in_dim3A_466, %select_n3A_457 : vector<1x5120xi1>, vector<1x5120xi32>
    %get3A_468 = arith.constant 0 : index
    %get3A_469 = arith.constant 41 : index
    %get3A_470 = arith.constant 0 : index
    %get3A_471 = vector.load %arg3[%get3A_468, %get3A_469, %get3A_470] : memref<1x80x5120xf32, #tpu.memory_space<vmem>>, vector<1x1x5120xf32>
    %get3A_472 = vector.shape_cast %get3A_471 : vector<1x1x5120xf32> to vector<1x5120xf32>
    %gt3A_473 = arith.cmpf ogt, %get3A_472, %select_n3A_464 : vector<1x5120xf32>
    %select_n3A_474 = arith.select %gt3A_473, %get3A_472, %select_n3A_464 : vector<1x5120xi1>, vector<1x5120xf32>
    %jit3A_475 = arith.constant 41 : i32
    %broadcast_in_dim3A_476 = vector.broadcast %jit3A_475 : i32 to vector<1x5120xi32>
    %select_n3A_477 = arith.select %gt3A_473, %broadcast_in_dim3A_476, %select_n3A_467 : vector<1x5120xi1>, vector<1x5120xi32>
    %get3A_478 = arith.constant 0 : index
    %get3A_479 = arith.constant 42 : index
    %get3A_480 = arith.constant 0 : index
    %get3A_481 = vector.load %arg3[%get3A_478, %get3A_479, %get3A_480] : memref<1x80x5120xf32, #tpu.memory_space<vmem>>, vector<1x1x5120xf32>
    %get3A_482 = vector.shape_cast %get3A_481 : vector<1x1x5120xf32> to vector<1x5120xf32>
    %gt3A_483 = arith.cmpf ogt, %get3A_482, %select_n3A_474 : vector<1x5120xf32>
    %select_n3A_484 = arith.select %gt3A_483, %get3A_482, %select_n3A_474 : vector<1x5120xi1>, vector<1x5120xf32>
    %jit3A_485 = arith.constant 42 : i32
    %broadcast_in_dim3A_486 = vector.broadcast %jit3A_485 : i32 to vector<1x5120xi32>
    %select_n3A_487 = arith.select %gt3A_483, %broadcast_in_dim3A_486, %select_n3A_477 : vector<1x5120xi1>, vector<1x5120xi32>
    %get3A_488 = arith.constant 0 : index
    %get3A_489 = arith.constant 43 : index
    %get3A_490 = arith.constant 0 : index
    %get3A_491 = vector.load %arg3[%get3A_488, %get3A_489, %get3A_490] : memref<1x80x5120xf32, #tpu.memory_space<vmem>>, vector<1x1x5120xf32>
    %get3A_492 = vector.shape_cast %get3A_491 : vector<1x1x5120xf32> to vector<1x5120xf32>
    %gt3A_493 = arith.cmpf ogt, %get3A_492, %select_n3A_484 : vector<1x5120xf32>
    %select_n3A_494 = arith.select %gt3A_493, %get3A_492, %select_n3A_484 : vector<1x5120xi1>, vector<1x5120xf32>
    %jit3A_495 = arith.constant 43 : i32
    %broadcast_in_dim3A_496 = vector.broadcast %jit3A_495 : i32 to vector<1x5120xi32>
    %select_n3A_497 = arith.select %gt3A_493, %broadcast_in_dim3A_496, %select_n3A_487 : vector<1x5120xi1>, vector<1x5120xi32>
    %get3A_498 = arith.constant 0 : index
    %get3A_499 = arith.constant 44 : index
    %get3A_500 = arith.constant 0 : index
    %get3A_501 = vector.load %arg3[%get3A_498, %get3A_499, %get3A_500] : memref<1x80x5120xf32, #tpu.memory_space<vmem>>, vector<1x1x5120xf32>
    %get3A_502 = vector.shape_cast %get3A_501 : vector<1x1x5120xf32> to vector<1x5120xf32>
    %gt3A_503 = arith.cmpf ogt, %get3A_502, %select_n3A_494 : vector<1x5120xf32>
    %select_n3A_504 = arith.select %gt3A_503, %get3A_502, %select_n3A_494 : vector<1x5120xi1>, vector<1x5120xf32>
    %jit3A_505 = arith.constant 44 : i32
    %broadcast_in_dim3A_506 = vector.broadcast %jit3A_505 : i32 to vector<1x5120xi32>
    %select_n3A_507 = arith.select %gt3A_503, %broadcast_in_dim3A_506, %select_n3A_497 : vector<1x5120xi1>, vector<1x5120xi32>
    %get3A_508 = arith.constant 0 : index
    %get3A_509 = arith.constant 45 : index
    %get3A_510 = arith.constant 0 : index
    %get3A_511 = vector.load %arg3[%get3A_508, %get3A_509, %get3A_510] : memref<1x80x5120xf32, #tpu.memory_space<vmem>>, vector<1x1x5120xf32>
    %get3A_512 = vector.shape_cast %get3A_511 : vector<1x1x5120xf32> to vector<1x5120xf32>
    %gt3A_513 = arith.cmpf ogt, %get3A_512, %select_n3A_504 : vector<1x5120xf32>
    %select_n3A_514 = arith.select %gt3A_513, %get3A_512, %select_n3A_504 : vector<1x5120xi1>, vector<1x5120xf32>
    %jit3A_515 = arith.constant 45 : i32
    %broadcast_in_dim3A_516 = vector.broadcast %jit3A_515 : i32 to vector<1x5120xi32>
    %select_n3A_517 = arith.select %gt3A_513, %broadcast_in_dim3A_516, %select_n3A_507 : vector<1x5120xi1>, vector<1x5120xi32>
    %get3A_518 = arith.constant 0 : index
    %get3A_519 = arith.constant 46 : index
    %get3A_520 = arith.constant 0 : index
    %get3A_521 = vector.load %arg3[%get3A_518, %get3A_519, %get3A_520] : memref<1x80x5120xf32, #tpu.memory_space<vmem>>, vector<1x1x5120xf32>
    %get3A_522 = vector.shape_cast %get3A_521 : vector<1x1x5120xf32> to vector<1x5120xf32>
    %gt3A_523 = arith.cmpf ogt, %get3A_522, %select_n3A_514 : vector<1x5120xf32>
    %select_n3A_524 = arith.select %gt3A_523, %get3A_522, %select_n3A_514 : vector<1x5120xi1>, vector<1x5120xf32>
    %jit3A_525 = arith.constant 46 : i32
    %broadcast_in_dim3A_526 = vector.broadcast %jit3A_525 : i32 to vector<1x5120xi32>
    %select_n3A_527 = arith.select %gt3A_523, %broadcast_in_dim3A_526, %select_n3A_517 : vector<1x5120xi1>, vector<1x5120xi32>
    %get3A_528 = arith.constant 0 : index
    %get3A_529 = arith.constant 47 : index
    %get3A_530 = arith.constant 0 : index
    %get3A_531 = vector.load %arg3[%get3A_528, %get3A_529, %get3A_530] : memref<1x80x5120xf32, #tpu.memory_space<vmem>>, vector<1x1x5120xf32>
    %get3A_532 = vector.shape_cast %get3A_531 : vector<1x1x5120xf32> to vector<1x5120xf32>
    %gt3A_533 = arith.cmpf ogt, %get3A_532, %select_n3A_524 : vector<1x5120xf32>
    %select_n3A_534 = arith.select %gt3A_533, %get3A_532, %select_n3A_524 : vector<1x5120xi1>, vector<1x5120xf32>
    %jit3A_535 = arith.constant 47 : i32
    %broadcast_in_dim3A_536 = vector.broadcast %jit3A_535 : i32 to vector<1x5120xi32>
    %select_n3A_537 = arith.select %gt3A_533, %broadcast_in_dim3A_536, %select_n3A_527 : vector<1x5120xi1>, vector<1x5120xi32>
    %get3A_538 = arith.constant 0 : index
    %get3A_539 = arith.constant 48 : index
    %get3A_540 = arith.constant 0 : index
    %get3A_541 = vector.load %arg3[%get3A_538, %get3A_539, %get3A_540] : memref<1x80x5120xf32, #tpu.memory_space<vmem>>, vector<1x1x5120xf32>
    %get3A_542 = vector.shape_cast %get3A_541 : vector<1x1x5120xf32> to vector<1x5120xf32>
    %gt3A_543 = arith.cmpf ogt, %get3A_542, %select_n3A_534 : vector<1x5120xf32>
    %select_n3A_544 = arith.select %gt3A_543, %get3A_542, %select_n3A_534 : vector<1x5120xi1>, vector<1x5120xf32>
    %jit3A_545 = arith.constant 48 : i32
    %broadcast_in_dim3A_546 = vector.broadcast %jit3A_545 : i32 to vector<1x5120xi32>
    %select_n3A_547 = arith.select %gt3A_543, %broadcast_in_dim3A_546, %select_n3A_537 : vector<1x5120xi1>, vector<1x5120xi32>
    %get3A_548 = arith.constant 0 : index
    %get3A_549 = arith.constant 49 : index
    %get3A_550 = arith.constant 0 : index
    %get3A_551 = vector.load %arg3[%get3A_548, %get3A_549, %get3A_550] : memref<1x80x5120xf32, #tpu.memory_space<vmem>>, vector<1x1x5120xf32>
    %get3A_552 = vector.shape_cast %get3A_551 : vector<1x1x5120xf32> to vector<1x5120xf32>
    %gt3A_553 = arith.cmpf ogt, %get3A_552, %select_n3A_544 : vector<1x5120xf32>
    %select_n3A_554 = arith.select %gt3A_553, %get3A_552, %select_n3A_544 : vector<1x5120xi1>, vector<1x5120xf32>
    %jit3A_555 = arith.constant 49 : i32
    %broadcast_in_dim3A_556 = vector.broadcast %jit3A_555 : i32 to vector<1x5120xi32>
    %select_n3A_557 = arith.select %gt3A_553, %broadcast_in_dim3A_556, %select_n3A_547 : vector<1x5120xi1>, vector<1x5120xi32>
    %get3A_558 = arith.constant 0 : index
    %get3A_559 = arith.constant 50 : index
    %get3A_560 = arith.constant 0 : index
    %get3A_561 = vector.load %arg3[%get3A_558, %get3A_559, %get3A_560] : memref<1x80x5120xf32, #tpu.memory_space<vmem>>, vector<1x1x5120xf32>
    %get3A_562 = vector.shape_cast %get3A_561 : vector<1x1x5120xf32> to vector<1x5120xf32>
    %gt3A_563 = arith.cmpf ogt, %get3A_562, %select_n3A_554 : vector<1x5120xf32>
    %select_n3A_564 = arith.select %gt3A_563, %get3A_562, %select_n3A_554 : vector<1x5120xi1>, vector<1x5120xf32>
    %jit3A_565 = arith.constant 50 : i32
    %broadcast_in_dim3A_566 = vector.broadcast %jit3A_565 : i32 to vector<1x5120xi32>
    %select_n3A_567 = arith.select %gt3A_563, %broadcast_in_dim3A_566, %select_n3A_557 : vector<1x5120xi1>, vector<1x5120xi32>
    %get3A_568 = arith.constant 0 : index
    %get3A_569 = arith.constant 51 : index
    %get3A_570 = arith.constant 0 : index
    %get3A_571 = vector.load %arg3[%get3A_568, %get3A_569, %get3A_570] : memref<1x80x5120xf32, #tpu.memory_space<vmem>>, vector<1x1x5120xf32>
    %get3A_572 = vector.shape_cast %get3A_571 : vector<1x1x5120xf32> to vector<1x5120xf32>
    %gt3A_573 = arith.cmpf ogt, %get3A_572, %select_n3A_564 : vector<1x5120xf32>
    %select_n3A_574 = arith.select %gt3A_573, %get3A_572, %select_n3A_564 : vector<1x5120xi1>, vector<1x5120xf32>
    %jit3A_575 = arith.constant 51 : i32
    %broadcast_in_dim3A_576 = vector.broadcast %jit3A_575 : i32 to vector<1x5120xi32>
    %select_n3A_577 = arith.select %gt3A_573, %broadcast_in_dim3A_576, %select_n3A_567 : vector<1x5120xi1>, vector<1x5120xi32>
    %get3A_578 = arith.constant 0 : index
    %get3A_579 = arith.constant 52 : index
    %get3A_580 = arith.constant 0 : index
    %get3A_581 = vector.load %arg3[%get3A_578, %get3A_579, %get3A_580] : memref<1x80x5120xf32, #tpu.memory_space<vmem>>, vector<1x1x5120xf32>
    %get3A_582 = vector.shape_cast %get3A_581 : vector<1x1x5120xf32> to vector<1x5120xf32>
    %gt3A_583 = arith.cmpf ogt, %get3A_582, %select_n3A_574 : vector<1x5120xf32>
    %select_n3A_584 = arith.select %gt3A_583, %get3A_582, %select_n3A_574 : vector<1x5120xi1>, vector<1x5120xf32>
    %jit3A_585 = arith.constant 52 : i32
    %broadcast_in_dim3A_586 = vector.broadcast %jit3A_585 : i32 to vector<1x5120xi32>
    %select_n3A_587 = arith.select %gt3A_583, %broadcast_in_dim3A_586, %select_n3A_577 : vector<1x5120xi1>, vector<1x5120xi32>
    %get3A_588 = arith.constant 0 : index
    %get3A_589 = arith.constant 53 : index
    %get3A_590 = arith.constant 0 : index
    %get3A_591 = vector.load %arg3[%get3A_588, %get3A_589, %get3A_590] : memref<1x80x5120xf32, #tpu.memory_space<vmem>>, vector<1x1x5120xf32>
    %get3A_592 = vector.shape_cast %get3A_591 : vector<1x1x5120xf32> to vector<1x5120xf32>
    %gt3A_593 = arith.cmpf ogt, %get3A_592, %select_n3A_584 : vector<1x5120xf32>
    %select_n3A_594 = arith.select %gt3A_593, %get3A_592, %select_n3A_584 : vector<1x5120xi1>, vector<1x5120xf32>
    %jit3A_595 = arith.constant 53 : i32
    %broadcast_in_dim3A_596 = vector.broadcast %jit3A_595 : i32 to vector<1x5120xi32>
    %select_n3A_597 = arith.select %gt3A_593, %broadcast_in_dim3A_596, %select_n3A_587 : vector<1x5120xi1>, vector<1x5120xi32>
    %get3A_598 = arith.constant 0 : index
    %get3A_599 = arith.constant 54 : index
    %get3A_600 = arith.constant 0 : index
    %get3A_601 = vector.load %arg3[%get3A_598, %get3A_599, %get3A_600] : memref<1x80x5120xf32, #tpu.memory_space<vmem>>, vector<1x1x5120xf32>
    %get3A_602 = vector.shape_cast %get3A_601 : vector<1x1x5120xf32> to vector<1x5120xf32>
    %gt3A_603 = arith.cmpf ogt, %get3A_602, %select_n3A_594 : vector<1x5120xf32>
    %select_n3A_604 = arith.select %gt3A_603, %get3A_602, %select_n3A_594 : vector<1x5120xi1>, vector<1x5120xf32>
    %jit3A_605 = arith.constant 54 : i32
    %broadcast_in_dim3A_606 = vector.broadcast %jit3A_605 : i32 to vector<1x5120xi32>
    %select_n3A_607 = arith.select %gt3A_603, %broadcast_in_dim3A_606, %select_n3A_597 : vector<1x5120xi1>, vector<1x5120xi32>
    %get3A_608 = arith.constant 0 : index
    %get3A_609 = arith.constant 55 : index
    %get3A_610 = arith.constant 0 : index
    %get3A_611 = vector.load %arg3[%get3A_608, %get3A_609, %get3A_610] : memref<1x80x5120xf32, #tpu.memory_space<vmem>>, vector<1x1x5120xf32>
    %get3A_612 = vector.shape_cast %get3A_611 : vector<1x1x5120xf32> to vector<1x5120xf32>
    %gt3A_613 = arith.cmpf ogt, %get3A_612, %select_n3A_604 : vector<1x5120xf32>
    %select_n3A_614 = arith.select %gt3A_613, %get3A_612, %select_n3A_604 : vector<1x5120xi1>, vector<1x5120xf32>
    %jit3A_615 = arith.constant 55 : i32
    %broadcast_in_dim3A_616 = vector.broadcast %jit3A_615 : i32 to vector<1x5120xi32>
    %select_n3A_617 = arith.select %gt3A_613, %broadcast_in_dim3A_616, %select_n3A_607 : vector<1x5120xi1>, vector<1x5120xi32>
    %get3A_618 = arith.constant 0 : index
    %get3A_619 = arith.constant 56 : index
    %get3A_620 = arith.constant 0 : index
    %get3A_621 = vector.load %arg3[%get3A_618, %get3A_619, %get3A_620] : memref<1x80x5120xf32, #tpu.memory_space<vmem>>, vector<1x1x5120xf32>
    %get3A_622 = vector.shape_cast %get3A_621 : vector<1x1x5120xf32> to vector<1x5120xf32>
    %gt3A_623 = arith.cmpf ogt, %get3A_622, %select_n3A_614 : vector<1x5120xf32>
    %select_n3A_624 = arith.select %gt3A_623, %get3A_622, %select_n3A_614 : vector<1x5120xi1>, vector<1x5120xf32>
    %jit3A_625 = arith.constant 56 : i32
    %broadcast_in_dim3A_626 = vector.broadcast %jit3A_625 : i32 to vector<1x5120xi32>
    %select_n3A_627 = arith.select %gt3A_623, %broadcast_in_dim3A_626, %select_n3A_617 : vector<1x5120xi1>, vector<1x5120xi32>
    %get3A_628 = arith.constant 0 : index
    %get3A_629 = arith.constant 57 : index
    %get3A_630 = arith.constant 0 : index
    %get3A_631 = vector.load %arg3[%get3A_628, %get3A_629, %get3A_630] : memref<1x80x5120xf32, #tpu.memory_space<vmem>>, vector<1x1x5120xf32>
    %get3A_632 = vector.shape_cast %get3A_631 : vector<1x1x5120xf32> to vector<1x5120xf32>
    %gt3A_633 = arith.cmpf ogt, %get3A_632, %select_n3A_624 : vector<1x5120xf32>
    %select_n3A_634 = arith.select %gt3A_633, %get3A_632, %select_n3A_624 : vector<1x5120xi1>, vector<1x5120xf32>
    %jit3A_635 = arith.constant 57 : i32
    %broadcast_in_dim3A_636 = vector.broadcast %jit3A_635 : i32 to vector<1x5120xi32>
    %select_n3A_637 = arith.select %gt3A_633, %broadcast_in_dim3A_636, %select_n3A_627 : vector<1x5120xi1>, vector<1x5120xi32>
    %get3A_638 = arith.constant 0 : index
    %get3A_639 = arith.constant 58 : index
    %get3A_640 = arith.constant 0 : index
    %get3A_641 = vector.load %arg3[%get3A_638, %get3A_639, %get3A_640] : memref<1x80x5120xf32, #tpu.memory_space<vmem>>, vector<1x1x5120xf32>
    %get3A_642 = vector.shape_cast %get3A_641 : vector<1x1x5120xf32> to vector<1x5120xf32>
    %gt3A_643 = arith.cmpf ogt, %get3A_642, %select_n3A_634 : vector<1x5120xf32>
    %select_n3A_644 = arith.select %gt3A_643, %get3A_642, %select_n3A_634 : vector<1x5120xi1>, vector<1x5120xf32>
    %jit3A_645 = arith.constant 58 : i32
    %broadcast_in_dim3A_646 = vector.broadcast %jit3A_645 : i32 to vector<1x5120xi32>
    %select_n3A_647 = arith.select %gt3A_643, %broadcast_in_dim3A_646, %select_n3A_637 : vector<1x5120xi1>, vector<1x5120xi32>
    %get3A_648 = arith.constant 0 : index
    %get3A_649 = arith.constant 59 : index
    %get3A_650 = arith.constant 0 : index
    %get3A_651 = vector.load %arg3[%get3A_648, %get3A_649, %get3A_650] : memref<1x80x5120xf32, #tpu.memory_space<vmem>>, vector<1x1x5120xf32>
    %get3A_652 = vector.shape_cast %get3A_651 : vector<1x1x5120xf32> to vector<1x5120xf32>
    %gt3A_653 = arith.cmpf ogt, %get3A_652, %select_n3A_644 : vector<1x5120xf32>
    %select_n3A_654 = arith.select %gt3A_653, %get3A_652, %select_n3A_644 : vector<1x5120xi1>, vector<1x5120xf32>
    %jit3A_655 = arith.constant 59 : i32
    %broadcast_in_dim3A_656 = vector.broadcast %jit3A_655 : i32 to vector<1x5120xi32>
    %select_n3A_657 = arith.select %gt3A_653, %broadcast_in_dim3A_656, %select_n3A_647 : vector<1x5120xi1>, vector<1x5120xi32>
    %get3A_658 = arith.constant 0 : index
    %get3A_659 = arith.constant 60 : index
    %get3A_660 = arith.constant 0 : index
    %get3A_661 = vector.load %arg3[%get3A_658, %get3A_659, %get3A_660] : memref<1x80x5120xf32, #tpu.memory_space<vmem>>, vector<1x1x5120xf32>
    %get3A_662 = vector.shape_cast %get3A_661 : vector<1x1x5120xf32> to vector<1x5120xf32>
    %gt3A_663 = arith.cmpf ogt, %get3A_662, %select_n3A_654 : vector<1x5120xf32>
    %select_n3A_664 = arith.select %gt3A_663, %get3A_662, %select_n3A_654 : vector<1x5120xi1>, vector<1x5120xf32>
    %jit3A_665 = arith.constant 60 : i32
    %broadcast_in_dim3A_666 = vector.broadcast %jit3A_665 : i32 to vector<1x5120xi32>
    %select_n3A_667 = arith.select %gt3A_663, %broadcast_in_dim3A_666, %select_n3A_657 : vector<1x5120xi1>, vector<1x5120xi32>
    %get3A_668 = arith.constant 0 : index
    %get3A_669 = arith.constant 61 : index
    %get3A_670 = arith.constant 0 : index
    %get3A_671 = vector.load %arg3[%get3A_668, %get3A_669, %get3A_670] : memref<1x80x5120xf32, #tpu.memory_space<vmem>>, vector<1x1x5120xf32>
    %get3A_672 = vector.shape_cast %get3A_671 : vector<1x1x5120xf32> to vector<1x5120xf32>
    %gt3A_673 = arith.cmpf ogt, %get3A_672, %select_n3A_664 : vector<1x5120xf32>
    %select_n3A_674 = arith.select %gt3A_673, %get3A_672, %select_n3A_664 : vector<1x5120xi1>, vector<1x5120xf32>
    %jit3A_675 = arith.constant 61 : i32
    %broadcast_in_dim3A_676 = vector.broadcast %jit3A_675 : i32 to vector<1x5120xi32>
    %select_n3A_677 = arith.select %gt3A_673, %broadcast_in_dim3A_676, %select_n3A_667 : vector<1x5120xi1>, vector<1x5120xi32>
    %get3A_678 = arith.constant 0 : index
    %get3A_679 = arith.constant 62 : index
    %get3A_680 = arith.constant 0 : index
    %get3A_681 = vector.load %arg3[%get3A_678, %get3A_679, %get3A_680] : memref<1x80x5120xf32, #tpu.memory_space<vmem>>, vector<1x1x5120xf32>
    %get3A_682 = vector.shape_cast %get3A_681 : vector<1x1x5120xf32> to vector<1x5120xf32>
    %gt3A_683 = arith.cmpf ogt, %get3A_682, %select_n3A_674 : vector<1x5120xf32>
    %select_n3A_684 = arith.select %gt3A_683, %get3A_682, %select_n3A_674 : vector<1x5120xi1>, vector<1x5120xf32>
    %jit3A_685 = arith.constant 62 : i32
    %broadcast_in_dim3A_686 = vector.broadcast %jit3A_685 : i32 to vector<1x5120xi32>
    %select_n3A_687 = arith.select %gt3A_683, %broadcast_in_dim3A_686, %select_n3A_677 : vector<1x5120xi1>, vector<1x5120xi32>
    %get3A_688 = arith.constant 0 : index
    %get3A_689 = arith.constant 63 : index
    %get3A_690 = arith.constant 0 : index
    %get3A_691 = vector.load %arg3[%get3A_688, %get3A_689, %get3A_690] : memref<1x80x5120xf32, #tpu.memory_space<vmem>>, vector<1x1x5120xf32>
    %get3A_692 = vector.shape_cast %get3A_691 : vector<1x1x5120xf32> to vector<1x5120xf32>
    %gt3A_693 = arith.cmpf ogt, %get3A_692, %select_n3A_684 : vector<1x5120xf32>
    %select_n3A_694 = arith.select %gt3A_693, %get3A_692, %select_n3A_684 : vector<1x5120xi1>, vector<1x5120xf32>
    %jit3A_695 = arith.constant 63 : i32
    %broadcast_in_dim3A_696 = vector.broadcast %jit3A_695 : i32 to vector<1x5120xi32>
    %select_n3A_697 = arith.select %gt3A_693, %broadcast_in_dim3A_696, %select_n3A_687 : vector<1x5120xi1>, vector<1x5120xi32>
    %get3A_698 = arith.constant 0 : index
    %get3A_699 = arith.constant 64 : index
    %get3A_700 = arith.constant 0 : index
    %get3A_701 = vector.load %arg3[%get3A_698, %get3A_699, %get3A_700] : memref<1x80x5120xf32, #tpu.memory_space<vmem>>, vector<1x1x5120xf32>
    %get3A_702 = vector.shape_cast %get3A_701 : vector<1x1x5120xf32> to vector<1x5120xf32>
    %gt3A_703 = arith.cmpf ogt, %get3A_702, %select_n3A_694 : vector<1x5120xf32>
    %select_n3A_704 = arith.select %gt3A_703, %get3A_702, %select_n3A_694 : vector<1x5120xi1>, vector<1x5120xf32>
    %jit3A_705 = arith.constant 64 : i32
    %broadcast_in_dim3A_706 = vector.broadcast %jit3A_705 : i32 to vector<1x5120xi32>
    %select_n3A_707 = arith.select %gt3A_703, %broadcast_in_dim3A_706, %select_n3A_697 : vector<1x5120xi1>, vector<1x5120xi32>
    %get3A_708 = arith.constant 0 : index
    %get3A_709 = arith.constant 65 : index
    %get3A_710 = arith.constant 0 : index
    %get3A_711 = vector.load %arg3[%get3A_708, %get3A_709, %get3A_710] : memref<1x80x5120xf32, #tpu.memory_space<vmem>>, vector<1x1x5120xf32>
    %get3A_712 = vector.shape_cast %get3A_711 : vector<1x1x5120xf32> to vector<1x5120xf32>
    %gt3A_713 = arith.cmpf ogt, %get3A_712, %select_n3A_704 : vector<1x5120xf32>
    %select_n3A_714 = arith.select %gt3A_713, %get3A_712, %select_n3A_704 : vector<1x5120xi1>, vector<1x5120xf32>
    %jit3A_715 = arith.constant 65 : i32
    %broadcast_in_dim3A_716 = vector.broadcast %jit3A_715 : i32 to vector<1x5120xi32>
    %select_n3A_717 = arith.select %gt3A_713, %broadcast_in_dim3A_716, %select_n3A_707 : vector<1x5120xi1>, vector<1x5120xi32>
    %get3A_718 = arith.constant 0 : index
    %get3A_719 = arith.constant 66 : index
    %get3A_720 = arith.constant 0 : index
    %get3A_721 = vector.load %arg3[%get3A_718, %get3A_719, %get3A_720] : memref<1x80x5120xf32, #tpu.memory_space<vmem>>, vector<1x1x5120xf32>
    %get3A_722 = vector.shape_cast %get3A_721 : vector<1x1x5120xf32> to vector<1x5120xf32>
    %gt3A_723 = arith.cmpf ogt, %get3A_722, %select_n3A_714 : vector<1x5120xf32>
    %select_n3A_724 = arith.select %gt3A_723, %get3A_722, %select_n3A_714 : vector<1x5120xi1>, vector<1x5120xf32>
    %jit3A_725 = arith.constant 66 : i32
    %broadcast_in_dim3A_726 = vector.broadcast %jit3A_725 : i32 to vector<1x5120xi32>
    %select_n3A_727 = arith.select %gt3A_723, %broadcast_in_dim3A_726, %select_n3A_717 : vector<1x5120xi1>, vector<1x5120xi32>
    %get3A_728 = arith.constant 0 : index
    %get3A_729 = arith.constant 67 : index
    %get3A_730 = arith.constant 0 : index
    %get3A_731 = vector.load %arg3[%get3A_728, %get3A_729, %get3A_730] : memref<1x80x5120xf32, #tpu.memory_space<vmem>>, vector<1x1x5120xf32>
    %get3A_732 = vector.shape_cast %get3A_731 : vector<1x1x5120xf32> to vector<1x5120xf32>
    %gt3A_733 = arith.cmpf ogt, %get3A_732, %select_n3A_724 : vector<1x5120xf32>
    %select_n3A_734 = arith.select %gt3A_733, %get3A_732, %select_n3A_724 : vector<1x5120xi1>, vector<1x5120xf32>
    %jit3A_735 = arith.constant 67 : i32
    %broadcast_in_dim3A_736 = vector.broadcast %jit3A_735 : i32 to vector<1x5120xi32>
    %select_n3A_737 = arith.select %gt3A_733, %broadcast_in_dim3A_736, %select_n3A_727 : vector<1x5120xi1>, vector<1x5120xi32>
    %get3A_738 = arith.constant 0 : index
    %get3A_739 = arith.constant 68 : index
    %get3A_740 = arith.constant 0 : index
    %get3A_741 = vector.load %arg3[%get3A_738, %get3A_739, %get3A_740] : memref<1x80x5120xf32, #tpu.memory_space<vmem>>, vector<1x1x5120xf32>
    %get3A_742 = vector.shape_cast %get3A_741 : vector<1x1x5120xf32> to vector<1x5120xf32>
    %gt3A_743 = arith.cmpf ogt, %get3A_742, %select_n3A_734 : vector<1x5120xf32>
    %select_n3A_744 = arith.select %gt3A_743, %get3A_742, %select_n3A_734 : vector<1x5120xi1>, vector<1x5120xf32>
    %jit3A_745 = arith.constant 68 : i32
    %broadcast_in_dim3A_746 = vector.broadcast %jit3A_745 : i32 to vector<1x5120xi32>
    %select_n3A_747 = arith.select %gt3A_743, %broadcast_in_dim3A_746, %select_n3A_737 : vector<1x5120xi1>, vector<1x5120xi32>
    %get3A_748 = arith.constant 0 : index
    %get3A_749 = arith.constant 69 : index
    %get3A_750 = arith.constant 0 : index
    %get3A_751 = vector.load %arg3[%get3A_748, %get3A_749, %get3A_750] : memref<1x80x5120xf32, #tpu.memory_space<vmem>>, vector<1x1x5120xf32>
    %get3A_752 = vector.shape_cast %get3A_751 : vector<1x1x5120xf32> to vector<1x5120xf32>
    %gt3A_753 = arith.cmpf ogt, %get3A_752, %select_n3A_744 : vector<1x5120xf32>
    %select_n3A_754 = arith.select %gt3A_753, %get3A_752, %select_n3A_744 : vector<1x5120xi1>, vector<1x5120xf32>
    %jit3A_755 = arith.constant 69 : i32
    %broadcast_in_dim3A_756 = vector.broadcast %jit3A_755 : i32 to vector<1x5120xi32>
    %select_n3A_757 = arith.select %gt3A_753, %broadcast_in_dim3A_756, %select_n3A_747 : vector<1x5120xi1>, vector<1x5120xi32>
    %get3A_758 = arith.constant 0 : index
    %get3A_759 = arith.constant 70 : index
    %get3A_760 = arith.constant 0 : index
    %get3A_761 = vector.load %arg3[%get3A_758, %get3A_759, %get3A_760] : memref<1x80x5120xf32, #tpu.memory_space<vmem>>, vector<1x1x5120xf32>
    %get3A_762 = vector.shape_cast %get3A_761 : vector<1x1x5120xf32> to vector<1x5120xf32>
    %gt3A_763 = arith.cmpf ogt, %get3A_762, %select_n3A_754 : vector<1x5120xf32>
    %select_n3A_764 = arith.select %gt3A_763, %get3A_762, %select_n3A_754 : vector<1x5120xi1>, vector<1x5120xf32>
    %jit3A_765 = arith.constant 70 : i32
    %broadcast_in_dim3A_766 = vector.broadcast %jit3A_765 : i32 to vector<1x5120xi32>
    %select_n3A_767 = arith.select %gt3A_763, %broadcast_in_dim3A_766, %select_n3A_757 : vector<1x5120xi1>, vector<1x5120xi32>
    %get3A_768 = arith.constant 0 : index
    %get3A_769 = arith.constant 71 : index
    %get3A_770 = arith.constant 0 : index
    %get3A_771 = vector.load %arg3[%get3A_768, %get3A_769, %get3A_770] : memref<1x80x5120xf32, #tpu.memory_space<vmem>>, vector<1x1x5120xf32>
    %get3A_772 = vector.shape_cast %get3A_771 : vector<1x1x5120xf32> to vector<1x5120xf32>
    %gt3A_773 = arith.cmpf ogt, %get3A_772, %select_n3A_764 : vector<1x5120xf32>
    %select_n3A_774 = arith.select %gt3A_773, %get3A_772, %select_n3A_764 : vector<1x5120xi1>, vector<1x5120xf32>
    %jit3A_775 = arith.constant 71 : i32
    %broadcast_in_dim3A_776 = vector.broadcast %jit3A_775 : i32 to vector<1x5120xi32>
    %select_n3A_777 = arith.select %gt3A_773, %broadcast_in_dim3A_776, %select_n3A_767 : vector<1x5120xi1>, vector<1x5120xi32>
    %get3A_778 = arith.constant 0 : index
    %get3A_779 = arith.constant 72 : index
    %get3A_780 = arith.constant 0 : index
    %get3A_781 = vector.load %arg3[%get3A_778, %get3A_779, %get3A_780] : memref<1x80x5120xf32, #tpu.memory_space<vmem>>, vector<1x1x5120xf32>
    %get3A_782 = vector.shape_cast %get3A_781 : vector<1x1x5120xf32> to vector<1x5120xf32>
    %gt3A_783 = arith.cmpf ogt, %get3A_782, %select_n3A_774 : vector<1x5120xf32>
    %select_n3A_784 = arith.select %gt3A_783, %get3A_782, %select_n3A_774 : vector<1x5120xi1>, vector<1x5120xf32>
    %jit3A_785 = arith.constant 72 : i32
    %broadcast_in_dim3A_786 = vector.broadcast %jit3A_785 : i32 to vector<1x5120xi32>
    %select_n3A_787 = arith.select %gt3A_783, %broadcast_in_dim3A_786, %select_n3A_777 : vector<1x5120xi1>, vector<1x5120xi32>
    %get3A_788 = arith.constant 0 : index
    %get3A_789 = arith.constant 73 : index
    %get3A_790 = arith.constant 0 : index
    %get3A_791 = vector.load %arg3[%get3A_788, %get3A_789, %get3A_790] : memref<1x80x5120xf32, #tpu.memory_space<vmem>>, vector<1x1x5120xf32>
    %get3A_792 = vector.shape_cast %get3A_791 : vector<1x1x5120xf32> to vector<1x5120xf32>
    %gt3A_793 = arith.cmpf ogt, %get3A_792, %select_n3A_784 : vector<1x5120xf32>
    %select_n3A_794 = arith.select %gt3A_793, %get3A_792, %select_n3A_784 : vector<1x5120xi1>, vector<1x5120xf32>
    %jit3A_795 = arith.constant 73 : i32
    %broadcast_in_dim3A_796 = vector.broadcast %jit3A_795 : i32 to vector<1x5120xi32>
    %select_n3A_797 = arith.select %gt3A_793, %broadcast_in_dim3A_796, %select_n3A_787 : vector<1x5120xi1>, vector<1x5120xi32>
    %get3A_798 = arith.constant 0 : index
    %get3A_799 = arith.constant 74 : index
    %get3A_800 = arith.constant 0 : index
    %get3A_801 = vector.load %arg3[%get3A_798, %get3A_799, %get3A_800] : memref<1x80x5120xf32, #tpu.memory_space<vmem>>, vector<1x1x5120xf32>
    %get3A_802 = vector.shape_cast %get3A_801 : vector<1x1x5120xf32> to vector<1x5120xf32>
    %gt3A_803 = arith.cmpf ogt, %get3A_802, %select_n3A_794 : vector<1x5120xf32>
    %select_n3A_804 = arith.select %gt3A_803, %get3A_802, %select_n3A_794 : vector<1x5120xi1>, vector<1x5120xf32>
    %jit3A_805 = arith.constant 74 : i32
    %broadcast_in_dim3A_806 = vector.broadcast %jit3A_805 : i32 to vector<1x5120xi32>
    %select_n3A_807 = arith.select %gt3A_803, %broadcast_in_dim3A_806, %select_n3A_797 : vector<1x5120xi1>, vector<1x5120xi32>
    %get3A_808 = arith.constant 0 : index
    %get3A_809 = arith.constant 75 : index
    %get3A_810 = arith.constant 0 : index
    %get3A_811 = vector.load %arg3[%get3A_808, %get3A_809, %get3A_810] : memref<1x80x5120xf32, #tpu.memory_space<vmem>>, vector<1x1x5120xf32>
    %get3A_812 = vector.shape_cast %get3A_811 : vector<1x1x5120xf32> to vector<1x5120xf32>
    %gt3A_813 = arith.cmpf ogt, %get3A_812, %select_n3A_804 : vector<1x5120xf32>
    %select_n3A_814 = arith.select %gt3A_813, %get3A_812, %select_n3A_804 : vector<1x5120xi1>, vector<1x5120xf32>
    %jit3A_815 = arith.constant 75 : i32
    %broadcast_in_dim3A_816 = vector.broadcast %jit3A_815 : i32 to vector<1x5120xi32>
    %select_n3A_817 = arith.select %gt3A_813, %broadcast_in_dim3A_816, %select_n3A_807 : vector<1x5120xi1>, vector<1x5120xi32>
    %get3A_818 = arith.constant 0 : index
    %get3A_819 = arith.constant 76 : index
    %get3A_820 = arith.constant 0 : index
    %get3A_821 = vector.load %arg3[%get3A_818, %get3A_819, %get3A_820] : memref<1x80x5120xf32, #tpu.memory_space<vmem>>, vector<1x1x5120xf32>
    %get3A_822 = vector.shape_cast %get3A_821 : vector<1x1x5120xf32> to vector<1x5120xf32>
    %gt3A_823 = arith.cmpf ogt, %get3A_822, %select_n3A_814 : vector<1x5120xf32>
    %select_n3A_824 = arith.select %gt3A_823, %get3A_822, %select_n3A_814 : vector<1x5120xi1>, vector<1x5120xf32>
    %jit3A_825 = arith.constant 76 : i32
    %broadcast_in_dim3A_826 = vector.broadcast %jit3A_825 : i32 to vector<1x5120xi32>
    %select_n3A_827 = arith.select %gt3A_823, %broadcast_in_dim3A_826, %select_n3A_817 : vector<1x5120xi1>, vector<1x5120xi32>
    %get3A_828 = arith.constant 0 : index
    %get3A_829 = arith.constant 77 : index
    %get3A_830 = arith.constant 0 : index
    %get3A_831 = vector.load %arg3[%get3A_828, %get3A_829, %get3A_830] : memref<1x80x5120xf32, #tpu.memory_space<vmem>>, vector<1x1x5120xf32>
    %get3A_832 = vector.shape_cast %get3A_831 : vector<1x1x5120xf32> to vector<1x5120xf32>
    %gt3A_833 = arith.cmpf ogt, %get3A_832, %select_n3A_824 : vector<1x5120xf32>
    %select_n3A_834 = arith.select %gt3A_833, %get3A_832, %select_n3A_824 : vector<1x5120xi1>, vector<1x5120xf32>
    %jit3A_835 = arith.constant 77 : i32
    %broadcast_in_dim3A_836 = vector.broadcast %jit3A_835 : i32 to vector<1x5120xi32>
    %select_n3A_837 = arith.select %gt3A_833, %broadcast_in_dim3A_836, %select_n3A_827 : vector<1x5120xi1>, vector<1x5120xi32>
    %get3A_838 = arith.constant 0 : index
    %get3A_839 = arith.constant 78 : index
    %get3A_840 = arith.constant 0 : index
    %get3A_841 = vector.load %arg3[%get3A_838, %get3A_839, %get3A_840] : memref<1x80x5120xf32, #tpu.memory_space<vmem>>, vector<1x1x5120xf32>
    %get3A_842 = vector.shape_cast %get3A_841 : vector<1x1x5120xf32> to vector<1x5120xf32>
    %gt3A_843 = arith.cmpf ogt, %get3A_842, %select_n3A_834 : vector<1x5120xf32>
    %select_n3A_844 = arith.select %gt3A_843, %get3A_842, %select_n3A_834 : vector<1x5120xi1>, vector<1x5120xf32>
    %jit3A_845 = arith.constant 78 : i32
    %broadcast_in_dim3A_846 = vector.broadcast %jit3A_845 : i32 to vector<1x5120xi32>
    %select_n3A_847 = arith.select %gt3A_843, %broadcast_in_dim3A_846, %select_n3A_837 : vector<1x5120xi1>, vector<1x5120xi32>
    %get3A_848 = arith.constant 0 : index
    %get3A_849 = arith.constant 79 : index
    %get3A_850 = arith.constant 0 : index
    %get3A_851 = vector.load %arg3[%get3A_848, %get3A_849, %get3A_850] : memref<1x80x5120xf32, #tpu.memory_space<vmem>>, vector<1x1x5120xf32>
    %get3A_852 = vector.shape_cast %get3A_851 : vector<1x1x5120xf32> to vector<1x5120xf32>
    %gt3A_853 = arith.cmpf ogt, %get3A_852, %select_n3A_844 : vector<1x5120xf32>
    %select_n3A_854 = arith.select %gt3A_853, %get3A_852, %select_n3A_844 : vector<1x5120xi1>, vector<1x5120xf32>
    %jit3A_855 = arith.constant 79 : i32
    %broadcast_in_dim3A_856 = vector.broadcast %jit3A_855 : i32 to vector<1x5120xi32>
    %select_n3A_857 = arith.select %gt3A_853, %broadcast_in_dim3A_856, %select_n3A_847 : vector<1x5120xi1>, vector<1x5120xi32>
    %swap3A_858 = arith.constant 0 : index
    %swap3A_859 = arith.constant 0 : index
    %swap3A_860 = arith.constant 0 : index
    %swap3A_861 = vector.load %arg5[%swap3A_858, %swap3A_859, %swap3A_860] : memref<1x1x5120xf32, #tpu.memory_space<vmem>>, vector<1x1x5120xf32>
    %swap3A_862 = vector.shape_cast %swap3A_861 : vector<1x1x5120xf32> to vector<1x5120xf32>
    %swap3A_863 = vector.shape_cast %select_n3A_854 : vector<1x5120xf32> to vector<1x1x5120xf32>
    tpu.vector_store %arg5[%swap3A_858, %swap3A_859, %swap3A_860], %swap3A_863 {strides = array<i32>} : memref<1x1x5120xf32, #tpu.memory_space<vmem>>, vector<1x1x5120xf32>,
    %swap3A_864 = arith.constant 0 : index
    %swap3A_865 = arith.constant 0 : index
    %swap3A_866 = arith.constant 0 : index
    %swap3A_867 = vector.load %arg6[%swap3A_864, %swap3A_865, %swap3A_866] : memref<1x1x5120xi32, #tpu.memory_space<vmem>>, vector<1x1x5120xi32>
    %swap3A_868 = vector.shape_cast %swap3A_867 : vector<1x1x5120xi32> to vector<1x5120xi32>
    %swap3A_869 = vector.shape_cast %select_n3A_857 : vector<1x5120xi32> to vector<1x1x5120xi32>
    tpu.vector_store %arg6[%swap3A_864, %swap3A_865, %swap3A_866], %swap3A_869 {strides = array<i32>} : memref<1x1x5120xi32, #tpu.memory_space<vmem>>, vector<1x1x5120xi32>,
    %get3A_870 = arith.constant 0 : index
    %get3A_871 = arith.constant 0 : index
    %get3A_872 = arith.constant 0 : index
    %get3A_873 = vector.load %arg2[%get3A_870, %get3A_871, %get3A_872] : memref<1x1x5120xf32, #tpu.memory_space<vmem>>, vector<1x1x5120xf32>
    %get3A_874 = vector.shape_cast %get3A_873 : vector<1x1x5120xf32> to vector<1x5120xf32>
    %ge3A = arith.constant 5.000000e-01 : f32
    %ge3A_875 = vector.broadcast %ge3A : f32 to vector<1x5120xf32>
    %ge3A_876 = arith.cmpf oge, %get3A_874, %ge3A_875 : vector<1x5120xf32>
    %neg3A = arith.constant 0.000000e+00 : f32
    %neg3A_877 = vector.broadcast %neg3A : f32 to vector<1x5120xf32>
    %neg3A_878 = arith.subf %neg3A_877, %select_n3A_854 : vector<1x5120xf32>
    %jit3A_879 = arith.constant 0x7F800000 : f32
    %broadcast_in_dim3A_880 = vector.broadcast %jit3A_879 : f32 to vector<1x5120xf32>
    %select_n3A_881 = arith.select %ge3A_876, %neg3A_878, %broadcast_in_dim3A_880 : vector<1x5120xi1>, vector<1x5120xf32>
    %swap3A_882 = arith.constant 0 : index
    %swap3A_883 = arith.constant 0 : index
    %swap3A_884 = arith.constant 0 : index
    %swap3A_885 = vector.load %arg7[%swap3A_882, %swap3A_883, %swap3A_884] : memref<1x1x5120xf32, #tpu.memory_space<vmem>>, vector<1x1x5120xf32>
    %swap3A_886 = vector.shape_cast %swap3A_885 : vector<1x1x5120xf32> to vector<1x5120xf32>
    %swap3A_887 = vector.shape_cast %select_n3A_881 : vector<1x5120xf32> to vector<1x1x5120xf32>
    tpu.vector_store %arg7[%swap3A_882, %swap3A_883, %swap3A_884], %swap3A_887 {strides = array<i32>} : memref<1x1x5120xf32, #tpu.memory_space<vmem>>, vector<1x1x5120xf32>,
    return
  }
  func.func @transform_0(%arg0: i32) -> (i32, i32, i32) {
    %c0_i32 = arith.constant 0 : i32
    %c0_i32_0 = arith.constant 0 : i32
    %c0_i32_1 = arith.constant 0 : i32
    return %arg0, %c0_i32, %c0_i32_0 : i32, i32, i32
  }
  func.func @transform_1(%arg0: i32) -> (i32, i32, i32) {
    %c0_i32 = arith.constant 0 : i32
    %c0_i32_0 = arith.constant 0 : i32
    %c0_i32_1 = arith.constant 0 : i32
    return %arg0, %c0_i32, %c0_i32_0 : i32, i32, i32
  }
  func.func @transform_2(%arg0: i32) -> (i32, i32, i32) {
    %c0_i32 = arith.constant 0 : i32
    %c0_i32_0 = arith.constant 0 : i32
    %c0_i32_1 = arith.constant 0 : i32
    return %arg0, %c0_i32, %c0_i32_0 : i32, i32, i32
  }
  func.func @transform_3(%arg0: i32) -> (i32, i32, i32) {
    %c0_i32 = arith.constant 0 : i32
    %c0_i32_0 = arith.constant 0 : i32
    %c0_i32_1 = arith.constant 0 : i32
    return %arg0, %c0_i32, %c0_i32_0 : i32, i32, i32
  }
  func.func @transform_4(%arg0: i32) -> (i32, i32, i32) {
    %c0_i32 = arith.constant 0 : i32
    %c0_i32_0 = arith.constant 0 : i32
    %c0_i32_1 = arith.constant 0 : i32
    return %arg0, %c0_i32, %c0_i32_0 : i32, i32, i32
  }
  func.func @transform_5(%arg0: i32) -> (i32, i32, i32) {
    %c0_i32 = arith.constant 0 : i32
    %c0_i32_0 = arith.constant 0 : i32
    %c0_i32_1 = arith.constant 0 : i32
    return %arg0, %c0_i32, %c0_i32_0 : i32, i32, i32
  }
  func.func @transform_6(%arg0: i32) -> (i32, i32, i32) {
    %c0_i32 = arith.constant 0 : i32
    %c0_i32_0 = arith.constant 0 : i32
    %c0_i32_1 = arith.constant 0 : i32
    return %arg0, %c0_i32, %c0_i32_0 : i32, i32, i32
  }
}

module attributes {stable_mosaic.version = 14 : i64} {
  func.func @_nms_body(%arg0: i32, %arg1: memref<1x5120x1xf32, #tpu.memory_space<vmem>>, %arg2: memref<1x5120x1xf32, #tpu.memory_space<vmem>>, %arg3: memref<1x5120x1xf32, #tpu.memory_space<vmem>>, %arg4: memref<1x5120x1xf32, #tpu.memory_space<vmem>>, %arg5: memref<1x1x5120xf32, #tpu.memory_space<vmem>>, %arg6: memref<1x1x5120xf32, #tpu.memory_space<vmem>>, %arg7: memref<1x1x5120xf32, #tpu.memory_space<vmem>>, %arg8: memref<1x1x5120xf32, #tpu.memory_space<vmem>>, %arg9: memref<1x1x5120xf32, #tpu.memory_space<vmem>>, %arg10: memref<1x1xf32, #tpu.memory_space<vmem>>, %arg11: memref<1x1x5120xf32, #tpu.memory_space<vmem>>, %arg12: memref<1x5120xf32, #tpu.memory_space<vmem>>) attributes {dimension_semantics = [#tpu.dimension_semantics<arbitrary>], iteration_bounds = array<i64: 4>, scalar_prefetch = 0 : i64, scratch_operands = 1 : i64, tpu.core_type = #tpu.core_type<tc>, window_params = [{transform_indices = @transform_0, window_bounds = array<i64: 1, 5120, 1>}, {transform_indices = @transform_1, window_bounds = array<i64: 1, 5120, 1>}, {transform_indices = @transform_2, window_bounds = array<i64: 1, 5120, 1>}, {transform_indices = @transform_3, window_bounds = array<i64: 1, 5120, 1>}, {transform_indices = @transform_4, window_bounds = array<i64: 1, 1, 5120>}, {transform_indices = @transform_5, window_bounds = array<i64: 1, 1, 5120>}, {transform_indices = @transform_6, window_bounds = array<i64: 1, 1, 5120>}, {transform_indices = @transform_7, window_bounds = array<i64: 1, 1, 5120>}, {transform_indices = @transform_8, window_bounds = array<i64: 1, 1, 5120>}, {pipeline_mode = #tpu.pipeline_mode<synchronous>, transform_indices = @transform_9, window_bounds = array<i64: 1, 1>}, {transform_indices = @transform_10, window_bounds = array<i64: 1, 1, 5120>}]} {
    %get3A = arith.constant 0 : index
    %get3A_0 = arith.constant 0 : index
    %get3A_1 = vector.load %arg10[%get3A, %get3A_0] : memref<1x1xf32, #tpu.memory_space<vmem>>, vector<1x1xf32>
    %broadcast_in_dim3A = arith.constant 0.000000e+00 : f32
    %broadcast_in_dim3A_2 = vector.broadcast %broadcast_in_dim3A : f32 to vector<1x5120xf32>
    %swap3A = arith.constant 0 : index
    %swap3A_3 = arith.constant 0 : index
    %swap3A_4 = vector.load %arg12[%swap3A, %swap3A_3] : memref<1x5120xf32, #tpu.memory_space<vmem>>, vector<1x5120xf32>
    tpu.vector_store %arg12[%swap3A, %swap3A_3], %broadcast_in_dim3A_2 {strides = array<i32>} : memref<1x5120xf32, #tpu.memory_space<vmem>>, vector<1x5120xf32>,
    %broadcast_in_dim3A_5 = arith.constant 0.000000e+00 : f32
    %broadcast_in_dim3A_6 = vector.broadcast %broadcast_in_dim3A_5 : f32 to vector<1x1x5120xf32>
    %swap3A_7 = arith.constant 0 : index
    %swap3A_8 = arith.constant 0 : index
    %swap3A_9 = arith.constant 0 : index
    %swap3A_10 = vector.load %arg11[%swap3A_7, %swap3A_8, %swap3A_9] : memref<1x1x5120xf32, #tpu.memory_space<vmem>>, vector<1x1x5120xf32>
    tpu.vector_store %arg11[%swap3A_7, %swap3A_8, %swap3A_9], %broadcast_in_dim3A_6 {strides = array<i32>} : memref<1x1x5120xf32, #tpu.memory_space<vmem>>, vector<1x1x5120xf32>,
    %get3A_11 = arith.constant 0 : index
    %get3A_12 = arith.constant 0 : index
    %get3A_13 = arith.constant 0 : index
    %get3A_14 = vector.load %arg9[%get3A_11, %get3A_12, %get3A_13] : memref<1x1x5120xf32, #tpu.memory_space<vmem>>, vector<1x1x5120xf32>
    %reduce_sum3A = vector.shape_cast %get3A_14 : vector<1x1x5120xf32> to vector<1x1x1x5120xf32>
    %reduce_sum3A_15 = arith.constant dense<0.000000e+00> : vector<1xf32>
    %reduce_sum3A_16 = vector.multi_reduction <add>, %reduce_sum3A, %reduce_sum3A_15 [1, 2, 3] : vector<1x1x1x5120xf32> to vector<1xf32>
    %reduce_sum3A_17 = vector.shape_cast %reduce_sum3A_16 : vector<1xf32> to vector<1x1x1x1xf32>
    %reduce_sum3A_18 = vector.extract %reduce_sum3A_17[0, 0, 0, 0] : f32 from vector<1x1x1x1xf32>
    %convert_element_type3A = arith.fptosi %reduce_sum3A_18 : f32 to i32
    %add3A = arith.constant 511 : i32
    %add3A_19 = arith.addi %convert_element_type3A, %add3A : i32
    %jit3A = arith.constant 512 : i32
    %div3A = arith.divsi %add3A_19, %jit3A : i32
    %sign3A = arith.constant 0 : i32
    %sign3A_20 = arith.cmpi sgt, %add3A_19, %sign3A : i32
    %sign3A_21 = arith.extui %sign3A_20 : i1 to i32
    %sign3A_22 = arith.constant 0 : i32
    %sign3A_23 = arith.cmpi slt, %add3A_19, %sign3A_22 : i32
    %sign3A_24 = arith.extui %sign3A_23 : i1 to i32
    %sign3A_25 = arith.subi %sign3A_21, %sign3A_24 : i32
    %sign3A_26 = arith.constant 0 : i32
    %sign3A_27 = arith.cmpi sgt, %jit3A, %sign3A_26 : i32
    %sign3A_28 = arith.extui %sign3A_27 : i1 to i32
    %sign3A_29 = arith.constant 0 : i32
    %sign3A_30 = arith.cmpi slt, %jit3A, %sign3A_29 : i32
    %sign3A_31 = arith.extui %sign3A_30 : i1 to i32
    %sign3A_32 = arith.subi %sign3A_28, %sign3A_31 : i32
    %ne3A = arith.cmpi ne, %sign3A_25, %sign3A_32 : i32
    %rem3A = arith.remsi %add3A_19, %jit3A : i32
    %ne3A_33 = arith.constant 0 : i32
    %ne3A_34 = arith.cmpi ne, %rem3A, %ne3A_33 : i32
    %and3A = arith.andi %ne3A, %ne3A_34 : i1
    %sub3A = arith.constant 1 : i32
    %sub3A_35 = arith.subi %div3A, %sub3A : i32
    %select_n3A = arith.select %and3A, %sub3A_35, %div3A : i32
    %iota3A = tpu.iota {dimensions = array<i32: 0>} : vector<512x512xi32>
    %iota3A_36 = tpu.iota {dimensions = array<i32: 1>} : vector<512x512xi32>
    %lt3A = arith.cmpi slt, %iota3A, %iota3A_36 : vector<512x512xi32>
    %convert_element_type3A_37 = arith.extui %lt3A : vector<512x512xi1> to vector<512x512xi32>
    %convert_element_type3A_38 = arith.sitofp %convert_element_type3A_37 : vector<512x512xi32> to vector<512x512xf32>
    %while3A = arith.constant 0 : i32
    %while3A_39 = arith.constant 0 : i32
    %while3A_40 = arith.subi %select_n3A, %while3A_39 : i32
    %while3A_41 = arith.addi %while3A_39, %while3A_40 : i32
    %while3A_42 = arith.constant 1 : i32
    %while3A_43 = arith.divsi %while3A_40, %while3A_42 : i32
    %while3A_44 = arith.muli %while3A_43, %while3A_42 : i32
    %while3A_45 = arith.addi %while3A_39, %while3A_44 : i32
    %while3A_46 = arith.constant 1 : i32
    scf.for %while3A_48 = %while3A_39 to %while3A_45 step %while3A_46  : i32 {
      %mul3A = arith.constant 512 : i32
      %mul3A_49 = arith.muli %while3A_48, %mul3A : i32
      %multiple_of3A = tpu.assume_multiple %mul3A_49, 512 : i32
      %get3A_50 = arith.constant 0 : index
      %get3A_51 = arith.index_cast %multiple_of3A : i32 to index
      %get3A_52 = arith.constant 0 : index
      %get3A_53 = vector.load %arg1[%get3A_50, %get3A_51, %get3A_52] : memref<1x5120x1xf32, #tpu.memory_space<vmem>>, vector<1x512x1xf32>
      %get3A_54 = vector.shape_cast %get3A_53 : vector<1x512x1xf32> to vector<512x1xf32>
      %get3A_55 = arith.constant 0 : index
      %get3A_56 = arith.index_cast %multiple_of3A : i32 to index
      %get3A_57 = arith.constant 0 : index
      %get3A_58 = vector.load %arg2[%get3A_55, %get3A_56, %get3A_57] : memref<1x5120x1xf32, #tpu.memory_space<vmem>>, vector<1x512x1xf32>
      %get3A_59 = vector.shape_cast %get3A_58 : vector<1x512x1xf32> to vector<512x1xf32>
      %get3A_60 = arith.constant 0 : index
      %get3A_61 = arith.index_cast %multiple_of3A : i32 to index
      %get3A_62 = arith.constant 0 : index
      %get3A_63 = vector.load %arg3[%get3A_60, %get3A_61, %get3A_62] : memref<1x5120x1xf32, #tpu.memory_space<vmem>>, vector<1x512x1xf32>
      %get3A_64 = vector.shape_cast %get3A_63 : vector<1x512x1xf32> to vector<512x1xf32>
      %get3A_65 = arith.constant 0 : index
      %get3A_66 = arith.index_cast %multiple_of3A : i32 to index
      %get3A_67 = arith.constant 0 : index
      %get3A_68 = vector.load %arg4[%get3A_65, %get3A_66, %get3A_67] : memref<1x5120x1xf32, #tpu.memory_space<vmem>>, vector<1x512x1xf32>
      %get3A_69 = vector.shape_cast %get3A_68 : vector<1x512x1xf32> to vector<512x1xf32>
      %sub3A_70 = arith.subf %get3A_64, %get3A_54 : vector<512x1xf32>
      %sub3A_71 = arith.subf %get3A_69, %get3A_59 : vector<512x1xf32>
      %mul3A_72 = arith.mulf %sub3A_70, %sub3A_71 : vector<512x1xf32>
      %get3A_73 = arith.constant 0 : index
      %get3A_74 = arith.constant 0 : index
      %get3A_75 = arith.index_cast %multiple_of3A : i32 to index
      %get3A_76 = vector.load %arg5[%get3A_73, %get3A_74, %get3A_75] : memref<1x1x5120xf32, #tpu.memory_space<vmem>>, vector<1x1x512xf32>
      %get3A_77 = vector.shape_cast %get3A_76 : vector<1x1x512xf32> to vector<1x512xf32>
      %get3A_78 = arith.constant 0 : index
      %get3A_79 = arith.constant 0 : index
      %get3A_80 = arith.index_cast %multiple_of3A : i32 to index
      %get3A_81 = vector.load %arg6[%get3A_78, %get3A_79, %get3A_80] : memref<1x1x5120xf32, #tpu.memory_space<vmem>>, vector<1x1x512xf32>
      %get3A_82 = vector.shape_cast %get3A_81 : vector<1x1x512xf32> to vector<1x512xf32>
      %get3A_83 = arith.constant 0 : index
      %get3A_84 = arith.constant 0 : index
      %get3A_85 = arith.index_cast %multiple_of3A : i32 to index
      %get3A_86 = vector.load %arg7[%get3A_83, %get3A_84, %get3A_85] : memref<1x1x5120xf32, #tpu.memory_space<vmem>>, vector<1x1x512xf32>
      %get3A_87 = vector.shape_cast %get3A_86 : vector<1x1x512xf32> to vector<1x512xf32>
      %get3A_88 = arith.constant 0 : index
      %get3A_89 = arith.constant 0 : index
      %get3A_90 = arith.index_cast %multiple_of3A : i32 to index
      %get3A_91 = vector.load %arg8[%get3A_88, %get3A_89, %get3A_90] : memref<1x1x5120xf32, #tpu.memory_space<vmem>>, vector<1x1x512xf32>
      %get3A_92 = vector.shape_cast %get3A_91 : vector<1x1x512xf32> to vector<1x512xf32>
      %sub3A_93 = arith.subf %get3A_87, %get3A_77 : vector<1x512xf32>
      %sub3A_94 = arith.subf %get3A_92, %get3A_82 : vector<1x512xf32>
      %mul3A_95 = arith.mulf %sub3A_93, %sub3A_94 : vector<1x512xf32>
      %max3A = vector.broadcast %get3A_54 : vector<512x1xf32> to vector<512x512xf32>
      %max3A_96 = vector.broadcast %get3A_77 : vector<1x512xf32> to vector<512x512xf32>
      %max3A_97 = arith.maximumf %max3A, %max3A_96 : vector<512x512xf32>
      %max3A_98 = vector.broadcast %get3A_59 : vector<512x1xf32> to vector<512x512xf32>
      %max3A_99 = vector.broadcast %get3A_82 : vector<1x512xf32> to vector<512x512xf32>
      %max3A_100 = arith.maximumf %max3A_98, %max3A_99 : vector<512x512xf32>
      %min3A = vector.broadcast %get3A_64 : vector<512x1xf32> to vector<512x512xf32>
      %min3A_101 = vector.broadcast %get3A_87 : vector<1x512xf32> to vector<512x512xf32>
      %min3A_102 = arith.minimumf %min3A, %min3A_101 : vector<512x512xf32>
      %min3A_103 = vector.broadcast %get3A_69 : vector<512x1xf32> to vector<512x512xf32>
      %min3A_104 = vector.broadcast %get3A_92 : vector<1x512xf32> to vector<512x512xf32>
      %min3A_105 = arith.minimumf %min3A_103, %min3A_104 : vector<512x512xf32>
      %sub3A_106 = arith.subf %min3A_102, %max3A_97 : vector<512x512xf32>
      %max3A_107 = arith.constant 0.000000e+00 : f32
      %max3A_108 = vector.broadcast %max3A_107 : f32 to vector<512x512xf32>
      %max3A_109 = arith.maximumf %max3A_108, %sub3A_106 : vector<512x512xf32>
      %sub3A_110 = arith.subf %min3A_105, %max3A_100 : vector<512x512xf32>
      %max3A_111 = arith.constant 0.000000e+00 : f32
      %max3A_112 = vector.broadcast %max3A_111 : f32 to vector<512x512xf32>
      %max3A_113 = arith.maximumf %max3A_112, %sub3A_110 : vector<512x512xf32>
      %mul3A_114 = arith.mulf %max3A_109, %max3A_113 : vector<512x512xf32>
      %add3A_115 = vector.broadcast %mul3A_72 : vector<512x1xf32> to vector<512x512xf32>
      %add3A_116 = vector.broadcast %mul3A_95 : vector<1x512xf32> to vector<512x512xf32>
      %add3A_117 = arith.addf %add3A_115, %add3A_116 : vector<512x512xf32>
      %sub3A_118 = arith.subf %add3A_117, %mul3A_114 : vector<512x512xf32>
      %add3A_119 = arith.constant 9.99999996E-13 : f32
      %add3A_120 = vector.broadcast %add3A_119 : f32 to vector<512x512xf32>
      %add3A_121 = arith.addf %sub3A_118, %add3A_120 : vector<512x512xf32>
      %div3A_122 = arith.divf %mul3A_114, %add3A_121 : vector<512x512xf32>
      %gt3A = vector.broadcast %get3A_1 : vector<1x1xf32> to vector<512x512xf32>
      %gt3A_123 = arith.cmpf ogt, %div3A_122, %gt3A : vector<512x512xf32>
      %convert_element_type3A_124 = arith.extui %gt3A_123 : vector<512x512xi1> to vector<512x512xi32>
      %convert_element_type3A_125 = arith.sitofp %convert_element_type3A_124 : vector<512x512xi32> to vector<512x512xf32>
      %mul3A_126 = arith.mulf %convert_element_type3A_125, %convert_element_type3A_38 : vector<512x512xf32>
      %convert_element_type3A_127 = arith.truncf %mul3A_126 : vector<512x512xf32> to vector<512x512xbf16>
      %get3A_128 = arith.constant 0 : index
      %get3A_129 = arith.constant 0 : index
      %get3A_130 = arith.index_cast %multiple_of3A : i32 to index
      %get3A_131 = vector.load %arg9[%get3A_128, %get3A_129, %get3A_130] : memref<1x1x5120xf32, #tpu.memory_space<vmem>>, vector<1x1x512xf32>
      %get3A_132 = vector.shape_cast %get3A_131 : vector<1x1x512xf32> to vector<1x512xf32>
      %get3A_133 = arith.constant 0 : index
      %get3A_134 = arith.index_cast %multiple_of3A : i32 to index
      %get3A_135 = vector.load %arg12[%get3A_133, %get3A_134] : memref<1x5120xf32, #tpu.memory_space<vmem>>, vector<1x512xf32>
      %lt3A_136 = arith.constant 5.000000e-01 : f32
      %lt3A_137 = vector.broadcast %lt3A_136 : f32 to vector<1x512xf32>
      %lt3A_138 = arith.cmpf olt, %get3A_135, %lt3A_137 : vector<1x512xf32>
      %convert_element_type3A_139 = arith.extui %lt3A_138 : vector<1x512xi1> to vector<1x512xi32>
      %convert_element_type3A_140 = arith.sitofp %convert_element_type3A_139 : vector<1x512xi32> to vector<1x512xf32>
      %mul3A_141 = arith.mulf %get3A_132, %convert_element_type3A_140 : vector<1x512xf32>
      %while3A_142 = arith.constant true
      %while3A_143:2 = scf.while (%while3A_162 = %mul3A_141, %while3A_163 = %while3A_142) : (vector<1x512xf32>, i1) -> (vector<1x512xf32>, i1) {
        scf.condition(%while3A_163) %while3A_162, %while3A_163 : vector<1x512xf32>, i1
      } do {
      ^bb0(%while3A_162: vector<1x512xf32>, %while3A_163: i1):
        %convert_element_type3A_164 = arith.truncf %while3A_162 : vector<1x512xf32> to vector<1x512xbf16>
        %dot_general3A = arith.constant dense<0.000000e+00> : vector<1x512xf32>
        %dot_general3A_165 = tpu.matmul %convert_element_type3A_164, %convert_element_type3A_127, %dot_general3A {dimension_numbers = #tpu.dot_dimension_numbers<[1], [0], [0], [1], [0, 0, 1, 1], [], []>, transpose_lhs_hint = false} : vector<1x512xbf16>, vector<512x512xbf16>, vector<1x512xf32> -> vector<1x512xf32>
        %lt3A_166 = arith.constant 5.000000e-01 : f32
        %lt3A_167 = vector.broadcast %lt3A_166 : f32 to vector<1x512xf32>
        %lt3A_168 = arith.cmpf olt, %dot_general3A_165, %lt3A_167 : vector<1x512xf32>
        %convert_element_type3A_169 = arith.extui %lt3A_168 : vector<1x512xi1> to vector<1x512xi32>
        %convert_element_type3A_170 = arith.sitofp %convert_element_type3A_169 : vector<1x512xi32> to vector<1x512xf32>
        %mul3A_171 = arith.mulf %mul3A_141, %convert_element_type3A_170 : vector<1x512xf32>
        %ne3A_172 = arith.cmpf one, %mul3A_171, %while3A_162 : vector<1x512xf32>
        %reduce_or3A = arith.constant 1.000000e+00 : f32
        %reduce_or3A_173 = arith.constant 0.000000e+00 : f32
        %reduce_or3A_174 = vector.broadcast %reduce_or3A : f32 to vector<1x512xf32>
        %reduce_or3A_175 = vector.broadcast %reduce_or3A_173 : f32 to vector<1x512xf32>
        %reduce_or3A_176 = arith.select %ne3A_172, %reduce_or3A_174, %reduce_or3A_175 : vector<1x512xi1>, vector<1x512xf32>
        %reduce_or3A_177 = vector.shape_cast %reduce_or3A_176 : vector<1x512xf32> to vector<1x1x512xf32>
        %reduce_or3A_178 = arith.constant dense<0xFF800000> : vector<1xf32>
        %reduce_or3A_179 = vector.multi_reduction <maximumf>, %reduce_or3A_177, %reduce_or3A_178 [1, 2] : vector<1x1x512xf32> to vector<1xf32>
        %reduce_or3A_180 = vector.shape_cast %reduce_or3A_179 : vector<1xf32> to vector<1x1x1xf32>
        %reduce_or3A_181 = vector.extract %reduce_or3A_180[0, 0, 0] : f32 from vector<1x1x1xf32>
        %reduce_or3A_182 = arith.constant 0.000000e+00 : f32
        %reduce_or3A_183 = arith.cmpf ogt, %reduce_or3A_181, %reduce_or3A_182 : f32
        scf.yield %mul3A_171, %reduce_or3A_183 : vector<1x512xf32>, i1
      }
      %swap3A_144 = arith.constant 0 : index
      %swap3A_145 = arith.constant 0 : index
      %swap3A_146 = arith.index_cast %multiple_of3A : i32 to index
      %swap3A_147 = vector.load %arg11[%swap3A_144, %swap3A_145, %swap3A_146] : memref<1x1x5120xf32, #tpu.memory_space<vmem>>, vector<1x1x512xf32>
      %swap3A_148 = vector.shape_cast %swap3A_147 : vector<1x1x512xf32> to vector<1x512xf32>
      %swap3A_149 = vector.shape_cast %while3A_143#0 : vector<1x512xf32> to vector<1x1x512xf32>
      tpu.vector_store %arg11[%swap3A_144, %swap3A_145, %swap3A_146], %swap3A_149 {strides = array<i32>} : memref<1x1x5120xf32, #tpu.memory_space<vmem>>, vector<1x1x512xf32>,
      %convert_element_type3A_150 = arith.truncf %while3A_143#0 : vector<1x512xf32> to vector<1x512xbf16>
      %add3A_151 = arith.constant 1 : i32
      %add3A_152 = arith.addi %while3A_48, %add3A_151 : i32
      %while3A_153 = arith.constant 0 : i32
      %while3A_154 = arith.subi %select_n3A, %add3A_152 : i32
      %while3A_155 = arith.addi %add3A_152, %while3A_154 : i32
      %while3A_156 = arith.constant 1 : i32
      %while3A_157 = arith.divsi %while3A_154, %while3A_156 : i32
      %while3A_158 = arith.muli %while3A_157, %while3A_156 : i32
      %while3A_159 = arith.addi %add3A_152, %while3A_158 : i32
      %while3A_160 = arith.constant 1 : i32
      scf.for %while3A_162 = %add3A_152 to %while3A_159 step %while3A_160  : i32 {
        %mul3A_163 = arith.constant 512 : i32
        %mul3A_164 = arith.muli %while3A_162, %mul3A_163 : i32
        %multiple_of3A_165 = tpu.assume_multiple %mul3A_164, 512 : i32
        %get3A_166 = arith.constant 0 : index
        %get3A_167 = arith.constant 0 : index
        %get3A_168 = arith.index_cast %multiple_of3A_165 : i32 to index
        %get3A_169 = vector.load %arg5[%get3A_166, %get3A_167, %get3A_168] : memref<1x1x5120xf32, #tpu.memory_space<vmem>>, vector<1x1x512xf32>
        %get3A_170 = vector.shape_cast %get3A_169 : vector<1x1x512xf32> to vector<1x512xf32>
        %get3A_171 = arith.constant 0 : index
        %get3A_172 = arith.constant 0 : index
        %get3A_173 = arith.index_cast %multiple_of3A_165 : i32 to index
        %get3A_174 = vector.load %arg6[%get3A_171, %get3A_172, %get3A_173] : memref<1x1x5120xf32, #tpu.memory_space<vmem>>, vector<1x1x512xf32>
        %get3A_175 = vector.shape_cast %get3A_174 : vector<1x1x512xf32> to vector<1x512xf32>
        %get3A_176 = arith.constant 0 : index
        %get3A_177 = arith.constant 0 : index
        %get3A_178 = arith.index_cast %multiple_of3A_165 : i32 to index
        %get3A_179 = vector.load %arg7[%get3A_176, %get3A_177, %get3A_178] : memref<1x1x5120xf32, #tpu.memory_space<vmem>>, vector<1x1x512xf32>
        %get3A_180 = vector.shape_cast %get3A_179 : vector<1x1x512xf32> to vector<1x512xf32>
        %get3A_181 = arith.constant 0 : index
        %get3A_182 = arith.constant 0 : index
        %get3A_183 = arith.index_cast %multiple_of3A_165 : i32 to index
        %get3A_184 = vector.load %arg8[%get3A_181, %get3A_182, %get3A_183] : memref<1x1x5120xf32, #tpu.memory_space<vmem>>, vector<1x1x512xf32>
        %get3A_185 = vector.shape_cast %get3A_184 : vector<1x1x512xf32> to vector<1x512xf32>
        %sub3A_186 = arith.subf %get3A_180, %get3A_170 : vector<1x512xf32>
        %sub3A_187 = arith.subf %get3A_185, %get3A_175 : vector<1x512xf32>
        %mul3A_188 = arith.mulf %sub3A_186, %sub3A_187 : vector<1x512xf32>
        %max3A_189 = vector.broadcast %get3A_54 : vector<512x1xf32> to vector<512x512xf32>
        %max3A_190 = vector.broadcast %get3A_170 : vector<1x512xf32> to vector<512x512xf32>
        %max3A_191 = arith.maximumf %max3A_189, %max3A_190 : vector<512x512xf32>
        %max3A_192 = vector.broadcast %get3A_59 : vector<512x1xf32> to vector<512x512xf32>
        %max3A_193 = vector.broadcast %get3A_175 : vector<1x512xf32> to vector<512x512xf32>
        %max3A_194 = arith.maximumf %max3A_192, %max3A_193 : vector<512x512xf32>
        %min3A_195 = vector.broadcast %get3A_64 : vector<512x1xf32> to vector<512x512xf32>
        %min3A_196 = vector.broadcast %get3A_180 : vector<1x512xf32> to vector<512x512xf32>
        %min3A_197 = arith.minimumf %min3A_195, %min3A_196 : vector<512x512xf32>
        %min3A_198 = vector.broadcast %get3A_69 : vector<512x1xf32> to vector<512x512xf32>
        %min3A_199 = vector.broadcast %get3A_185 : vector<1x512xf32> to vector<512x512xf32>
        %min3A_200 = arith.minimumf %min3A_198, %min3A_199 : vector<512x512xf32>
        %sub3A_201 = arith.subf %min3A_197, %max3A_191 : vector<512x512xf32>
        %max3A_202 = arith.constant 0.000000e+00 : f32
        %max3A_203 = vector.broadcast %max3A_202 : f32 to vector<512x512xf32>
        %max3A_204 = arith.maximumf %max3A_203, %sub3A_201 : vector<512x512xf32>
        %sub3A_205 = arith.subf %min3A_200, %max3A_194 : vector<512x512xf32>
        %max3A_206 = arith.constant 0.000000e+00 : f32
        %max3A_207 = vector.broadcast %max3A_206 : f32 to vector<512x512xf32>
        %max3A_208 = arith.maximumf %max3A_207, %sub3A_205 : vector<512x512xf32>
        %mul3A_209 = arith.mulf %max3A_204, %max3A_208 : vector<512x512xf32>
        %add3A_210 = vector.broadcast %mul3A_72 : vector<512x1xf32> to vector<512x512xf32>
        %add3A_211 = vector.broadcast %mul3A_188 : vector<1x512xf32> to vector<512x512xf32>
        %add3A_212 = arith.addf %add3A_210, %add3A_211 : vector<512x512xf32>
        %sub3A_213 = arith.subf %add3A_212, %mul3A_209 : vector<512x512xf32>
        %add3A_214 = arith.constant 9.99999996E-13 : f32
        %add3A_215 = vector.broadcast %add3A_214 : f32 to vector<512x512xf32>
        %add3A_216 = arith.addf %sub3A_213, %add3A_215 : vector<512x512xf32>
        %div3A_217 = arith.divf %mul3A_209, %add3A_216 : vector<512x512xf32>
        %gt3A_218 = vector.broadcast %get3A_1 : vector<1x1xf32> to vector<512x512xf32>
        %gt3A_219 = arith.cmpf ogt, %div3A_217, %gt3A_218 : vector<512x512xf32>
        %convert_element_type3A_220 = arith.extui %gt3A_219 : vector<512x512xi1> to vector<512x512xi32>
        %convert_element_type3A_221 = arith.sitofp %convert_element_type3A_220 : vector<512x512xi32> to vector<512x512xf32>
        %convert_element_type3A_222 = arith.truncf %convert_element_type3A_221 : vector<512x512xf32> to vector<512x512xbf16>
        %dot_general3A = arith.constant dense<0.000000e+00> : vector<1x512xf32>
        %dot_general3A_223 = tpu.matmul %convert_element_type3A_150, %convert_element_type3A_222, %dot_general3A {dimension_numbers = #tpu.dot_dimension_numbers<[1], [0], [0], [1], [0, 0, 1, 1], [], []>, transpose_lhs_hint = false} : vector<1x512xbf16>, vector<512x512xbf16>, vector<1x512xf32> -> vector<1x512xf32>
        %get3A_224 = arith.constant 0 : index
        %get3A_225 = arith.index_cast %multiple_of3A_165 : i32 to index
        %get3A_226 = vector.load %arg12[%get3A_224, %get3A_225] : memref<1x5120xf32, #tpu.memory_space<vmem>>, vector<1x512xf32>
        %min3A_227 = arith.constant 1.000000e+00 : f32
        %min3A_228 = vector.broadcast %min3A_227 : f32 to vector<1x512xf32>
        %min3A_229 = arith.minimumf %dot_general3A_223, %min3A_228 : vector<1x512xf32>
        %max3A_230 = arith.maximumf %get3A_226, %min3A_229 : vector<1x512xf32>
        %swap3A_231 = arith.constant 0 : index
        %swap3A_232 = arith.index_cast %multiple_of3A_165 : i32 to index
        %swap3A_233 = vector.load %arg12[%swap3A_231, %swap3A_232] : memref<1x5120xf32, #tpu.memory_space<vmem>>, vector<1x512xf32>
        tpu.vector_store %arg12[%swap3A_231, %swap3A_232], %max3A_230 {strides = array<i32>} : memref<1x5120xf32, #tpu.memory_space<vmem>>, vector<1x512xf32>,
      }
      %while3A_161 = arith.constant 1 : i32
      scf.for %while3A_162 = %while3A_159 to %while3A_155 step %while3A_161  : i32 {
        %mul3A_163 = arith.constant 512 : i32
        %mul3A_164 = arith.muli %while3A_162, %mul3A_163 : i32
        %multiple_of3A_165 = tpu.assume_multiple %mul3A_164, 512 : i32
        %get3A_166 = arith.constant 0 : index
        %get3A_167 = arith.constant 0 : index
        %get3A_168 = arith.index_cast %multiple_of3A_165 : i32 to index
        %get3A_169 = vector.load %arg5[%get3A_166, %get3A_167, %get3A_168] : memref<1x1x5120xf32, #tpu.memory_space<vmem>>, vector<1x1x512xf32>
        %get3A_170 = vector.shape_cast %get3A_169 : vector<1x1x512xf32> to vector<1x512xf32>
        %get3A_171 = arith.constant 0 : index
        %get3A_172 = arith.constant 0 : index
        %get3A_173 = arith.index_cast %multiple_of3A_165 : i32 to index
        %get3A_174 = vector.load %arg6[%get3A_171, %get3A_172, %get3A_173] : memref<1x1x5120xf32, #tpu.memory_space<vmem>>, vector<1x1x512xf32>
        %get3A_175 = vector.shape_cast %get3A_174 : vector<1x1x512xf32> to vector<1x512xf32>
        %get3A_176 = arith.constant 0 : index
        %get3A_177 = arith.constant 0 : index
        %get3A_178 = arith.index_cast %multiple_of3A_165 : i32 to index
        %get3A_179 = vector.load %arg7[%get3A_176, %get3A_177, %get3A_178] : memref<1x1x5120xf32, #tpu.memory_space<vmem>>, vector<1x1x512xf32>
        %get3A_180 = vector.shape_cast %get3A_179 : vector<1x1x512xf32> to vector<1x512xf32>
        %get3A_181 = arith.constant 0 : index
        %get3A_182 = arith.constant 0 : index
        %get3A_183 = arith.index_cast %multiple_of3A_165 : i32 to index
        %get3A_184 = vector.load %arg8[%get3A_181, %get3A_182, %get3A_183] : memref<1x1x5120xf32, #tpu.memory_space<vmem>>, vector<1x1x512xf32>
        %get3A_185 = vector.shape_cast %get3A_184 : vector<1x1x512xf32> to vector<1x512xf32>
        %sub3A_186 = arith.subf %get3A_180, %get3A_170 : vector<1x512xf32>
        %sub3A_187 = arith.subf %get3A_185, %get3A_175 : vector<1x512xf32>
        %mul3A_188 = arith.mulf %sub3A_186, %sub3A_187 : vector<1x512xf32>
        %max3A_189 = vector.broadcast %get3A_54 : vector<512x1xf32> to vector<512x512xf32>
        %max3A_190 = vector.broadcast %get3A_170 : vector<1x512xf32> to vector<512x512xf32>
        %max3A_191 = arith.maximumf %max3A_189, %max3A_190 : vector<512x512xf32>
        %max3A_192 = vector.broadcast %get3A_59 : vector<512x1xf32> to vector<512x512xf32>
        %max3A_193 = vector.broadcast %get3A_175 : vector<1x512xf32> to vector<512x512xf32>
        %max3A_194 = arith.maximumf %max3A_192, %max3A_193 : vector<512x512xf32>
        %min3A_195 = vector.broadcast %get3A_64 : vector<512x1xf32> to vector<512x512xf32>
        %min3A_196 = vector.broadcast %get3A_180 : vector<1x512xf32> to vector<512x512xf32>
        %min3A_197 = arith.minimumf %min3A_195, %min3A_196 : vector<512x512xf32>
        %min3A_198 = vector.broadcast %get3A_69 : vector<512x1xf32> to vector<512x512xf32>
        %min3A_199 = vector.broadcast %get3A_185 : vector<1x512xf32> to vector<512x512xf32>
        %min3A_200 = arith.minimumf %min3A_198, %min3A_199 : vector<512x512xf32>
        %sub3A_201 = arith.subf %min3A_197, %max3A_191 : vector<512x512xf32>
        %max3A_202 = arith.constant 0.000000e+00 : f32
        %max3A_203 = vector.broadcast %max3A_202 : f32 to vector<512x512xf32>
        %max3A_204 = arith.maximumf %max3A_203, %sub3A_201 : vector<512x512xf32>
        %sub3A_205 = arith.subf %min3A_200, %max3A_194 : vector<512x512xf32>
        %max3A_206 = arith.constant 0.000000e+00 : f32
        %max3A_207 = vector.broadcast %max3A_206 : f32 to vector<512x512xf32>
        %max3A_208 = arith.maximumf %max3A_207, %sub3A_205 : vector<512x512xf32>
        %mul3A_209 = arith.mulf %max3A_204, %max3A_208 : vector<512x512xf32>
        %add3A_210 = vector.broadcast %mul3A_72 : vector<512x1xf32> to vector<512x512xf32>
        %add3A_211 = vector.broadcast %mul3A_188 : vector<1x512xf32> to vector<512x512xf32>
        %add3A_212 = arith.addf %add3A_210, %add3A_211 : vector<512x512xf32>
        %sub3A_213 = arith.subf %add3A_212, %mul3A_209 : vector<512x512xf32>
        %add3A_214 = arith.constant 9.99999996E-13 : f32
        %add3A_215 = vector.broadcast %add3A_214 : f32 to vector<512x512xf32>
        %add3A_216 = arith.addf %sub3A_213, %add3A_215 : vector<512x512xf32>
        %div3A_217 = arith.divf %mul3A_209, %add3A_216 : vector<512x512xf32>
        %gt3A_218 = vector.broadcast %get3A_1 : vector<1x1xf32> to vector<512x512xf32>
        %gt3A_219 = arith.cmpf ogt, %div3A_217, %gt3A_218 : vector<512x512xf32>
        %convert_element_type3A_220 = arith.extui %gt3A_219 : vector<512x512xi1> to vector<512x512xi32>
        %convert_element_type3A_221 = arith.sitofp %convert_element_type3A_220 : vector<512x512xi32> to vector<512x512xf32>
        %convert_element_type3A_222 = arith.truncf %convert_element_type3A_221 : vector<512x512xf32> to vector<512x512xbf16>
        %dot_general3A = arith.constant dense<0.000000e+00> : vector<1x512xf32>
        %dot_general3A_223 = tpu.matmul %convert_element_type3A_150, %convert_element_type3A_222, %dot_general3A {dimension_numbers = #tpu.dot_dimension_numbers<[1], [0], [0], [1], [0, 0, 1, 1], [], []>, transpose_lhs_hint = false} : vector<1x512xbf16>, vector<512x512xbf16>, vector<1x512xf32> -> vector<1x512xf32>
        %get3A_224 = arith.constant 0 : index
        %get3A_225 = arith.index_cast %multiple_of3A_165 : i32 to index
        %get3A_226 = vector.load %arg12[%get3A_224, %get3A_225] : memref<1x5120xf32, #tpu.memory_space<vmem>>, vector<1x512xf32>
        %min3A_227 = arith.constant 1.000000e+00 : f32
        %min3A_228 = vector.broadcast %min3A_227 : f32 to vector<1x512xf32>
        %min3A_229 = arith.minimumf %dot_general3A_223, %min3A_228 : vector<1x512xf32>
        %max3A_230 = arith.maximumf %get3A_226, %min3A_229 : vector<1x512xf32>
        %swap3A_231 = arith.constant 0 : index
        %swap3A_232 = arith.index_cast %multiple_of3A_165 : i32 to index
        %swap3A_233 = vector.load %arg12[%swap3A_231, %swap3A_232] : memref<1x5120xf32, #tpu.memory_space<vmem>>, vector<1x512xf32>
        tpu.vector_store %arg12[%swap3A_231, %swap3A_232], %max3A_230 {strides = array<i32>} : memref<1x5120xf32, #tpu.memory_space<vmem>>, vector<1x512xf32>,
      }
    }
    %while3A_47 = arith.constant 1 : i32
    scf.for %while3A_48 = %while3A_45 to %while3A_41 step %while3A_47  : i32 {
      %mul3A = arith.constant 512 : i32
      %mul3A_49 = arith.muli %while3A_48, %mul3A : i32
      %multiple_of3A = tpu.assume_multiple %mul3A_49, 512 : i32
      %get3A_50 = arith.constant 0 : index
      %get3A_51 = arith.index_cast %multiple_of3A : i32 to index
      %get3A_52 = arith.constant 0 : index
      %get3A_53 = vector.load %arg1[%get3A_50, %get3A_51, %get3A_52] : memref<1x5120x1xf32, #tpu.memory_space<vmem>>, vector<1x512x1xf32>
      %get3A_54 = vector.shape_cast %get3A_53 : vector<1x512x1xf32> to vector<512x1xf32>
      %get3A_55 = arith.constant 0 : index
      %get3A_56 = arith.index_cast %multiple_of3A : i32 to index
      %get3A_57 = arith.constant 0 : index
      %get3A_58 = vector.load %arg2[%get3A_55, %get3A_56, %get3A_57] : memref<1x5120x1xf32, #tpu.memory_space<vmem>>, vector<1x512x1xf32>
      %get3A_59 = vector.shape_cast %get3A_58 : vector<1x512x1xf32> to vector<512x1xf32>
      %get3A_60 = arith.constant 0 : index
      %get3A_61 = arith.index_cast %multiple_of3A : i32 to index
      %get3A_62 = arith.constant 0 : index
      %get3A_63 = vector.load %arg3[%get3A_60, %get3A_61, %get3A_62] : memref<1x5120x1xf32, #tpu.memory_space<vmem>>, vector<1x512x1xf32>
      %get3A_64 = vector.shape_cast %get3A_63 : vector<1x512x1xf32> to vector<512x1xf32>
      %get3A_65 = arith.constant 0 : index
      %get3A_66 = arith.index_cast %multiple_of3A : i32 to index
      %get3A_67 = arith.constant 0 : index
      %get3A_68 = vector.load %arg4[%get3A_65, %get3A_66, %get3A_67] : memref<1x5120x1xf32, #tpu.memory_space<vmem>>, vector<1x512x1xf32>
      %get3A_69 = vector.shape_cast %get3A_68 : vector<1x512x1xf32> to vector<512x1xf32>
      %sub3A_70 = arith.subf %get3A_64, %get3A_54 : vector<512x1xf32>
      %sub3A_71 = arith.subf %get3A_69, %get3A_59 : vector<512x1xf32>
      %mul3A_72 = arith.mulf %sub3A_70, %sub3A_71 : vector<512x1xf32>
      %get3A_73 = arith.constant 0 : index
      %get3A_74 = arith.constant 0 : index
      %get3A_75 = arith.index_cast %multiple_of3A : i32 to index
      %get3A_76 = vector.load %arg5[%get3A_73, %get3A_74, %get3A_75] : memref<1x1x5120xf32, #tpu.memory_space<vmem>>, vector<1x1x512xf32>
      %get3A_77 = vector.shape_cast %get3A_76 : vector<1x1x512xf32> to vector<1x512xf32>
      %get3A_78 = arith.constant 0 : index
      %get3A_79 = arith.constant 0 : index
      %get3A_80 = arith.index_cast %multiple_of3A : i32 to index
      %get3A_81 = vector.load %arg6[%get3A_78, %get3A_79, %get3A_80] : memref<1x1x5120xf32, #tpu.memory_space<vmem>>, vector<1x1x512xf32>
      %get3A_82 = vector.shape_cast %get3A_81 : vector<1x1x512xf32> to vector<1x512xf32>
      %get3A_83 = arith.constant 0 : index
      %get3A_84 = arith.constant 0 : index
      %get3A_85 = arith.index_cast %multiple_of3A : i32 to index
      %get3A_86 = vector.load %arg7[%get3A_83, %get3A_84, %get3A_85] : memref<1x1x5120xf32, #tpu.memory_space<vmem>>, vector<1x1x512xf32>
      %get3A_87 = vector.shape_cast %get3A_86 : vector<1x1x512xf32> to vector<1x512xf32>
      %get3A_88 = arith.constant 0 : index
      %get3A_89 = arith.constant 0 : index
      %get3A_90 = arith.index_cast %multiple_of3A : i32 to index
      %get3A_91 = vector.load %arg8[%get3A_88, %get3A_89, %get3A_90] : memref<1x1x5120xf32, #tpu.memory_space<vmem>>, vector<1x1x512xf32>
      %get3A_92 = vector.shape_cast %get3A_91 : vector<1x1x512xf32> to vector<1x512xf32>
      %sub3A_93 = arith.subf %get3A_87, %get3A_77 : vector<1x512xf32>
      %sub3A_94 = arith.subf %get3A_92, %get3A_82 : vector<1x512xf32>
      %mul3A_95 = arith.mulf %sub3A_93, %sub3A_94 : vector<1x512xf32>
      %max3A = vector.broadcast %get3A_54 : vector<512x1xf32> to vector<512x512xf32>
      %max3A_96 = vector.broadcast %get3A_77 : vector<1x512xf32> to vector<512x512xf32>
      %max3A_97 = arith.maximumf %max3A, %max3A_96 : vector<512x512xf32>
      %max3A_98 = vector.broadcast %get3A_59 : vector<512x1xf32> to vector<512x512xf32>
      %max3A_99 = vector.broadcast %get3A_82 : vector<1x512xf32> to vector<512x512xf32>
      %max3A_100 = arith.maximumf %max3A_98, %max3A_99 : vector<512x512xf32>
      %min3A = vector.broadcast %get3A_64 : vector<512x1xf32> to vector<512x512xf32>
      %min3A_101 = vector.broadcast %get3A_87 : vector<1x512xf32> to vector<512x512xf32>
      %min3A_102 = arith.minimumf %min3A, %min3A_101 : vector<512x512xf32>
      %min3A_103 = vector.broadcast %get3A_69 : vector<512x1xf32> to vector<512x512xf32>
      %min3A_104 = vector.broadcast %get3A_92 : vector<1x512xf32> to vector<512x512xf32>
      %min3A_105 = arith.minimumf %min3A_103, %min3A_104 : vector<512x512xf32>
      %sub3A_106 = arith.subf %min3A_102, %max3A_97 : vector<512x512xf32>
      %max3A_107 = arith.constant 0.000000e+00 : f32
      %max3A_108 = vector.broadcast %max3A_107 : f32 to vector<512x512xf32>
      %max3A_109 = arith.maximumf %max3A_108, %sub3A_106 : vector<512x512xf32>
      %sub3A_110 = arith.subf %min3A_105, %max3A_100 : vector<512x512xf32>
      %max3A_111 = arith.constant 0.000000e+00 : f32
      %max3A_112 = vector.broadcast %max3A_111 : f32 to vector<512x512xf32>
      %max3A_113 = arith.maximumf %max3A_112, %sub3A_110 : vector<512x512xf32>
      %mul3A_114 = arith.mulf %max3A_109, %max3A_113 : vector<512x512xf32>
      %add3A_115 = vector.broadcast %mul3A_72 : vector<512x1xf32> to vector<512x512xf32>
      %add3A_116 = vector.broadcast %mul3A_95 : vector<1x512xf32> to vector<512x512xf32>
      %add3A_117 = arith.addf %add3A_115, %add3A_116 : vector<512x512xf32>
      %sub3A_118 = arith.subf %add3A_117, %mul3A_114 : vector<512x512xf32>
      %add3A_119 = arith.constant 9.99999996E-13 : f32
      %add3A_120 = vector.broadcast %add3A_119 : f32 to vector<512x512xf32>
      %add3A_121 = arith.addf %sub3A_118, %add3A_120 : vector<512x512xf32>
      %div3A_122 = arith.divf %mul3A_114, %add3A_121 : vector<512x512xf32>
      %gt3A = vector.broadcast %get3A_1 : vector<1x1xf32> to vector<512x512xf32>
      %gt3A_123 = arith.cmpf ogt, %div3A_122, %gt3A : vector<512x512xf32>
      %convert_element_type3A_124 = arith.extui %gt3A_123 : vector<512x512xi1> to vector<512x512xi32>
      %convert_element_type3A_125 = arith.sitofp %convert_element_type3A_124 : vector<512x512xi32> to vector<512x512xf32>
      %mul3A_126 = arith.mulf %convert_element_type3A_125, %convert_element_type3A_38 : vector<512x512xf32>
      %convert_element_type3A_127 = arith.truncf %mul3A_126 : vector<512x512xf32> to vector<512x512xbf16>
      %get3A_128 = arith.constant 0 : index
      %get3A_129 = arith.constant 0 : index
      %get3A_130 = arith.index_cast %multiple_of3A : i32 to index
      %get3A_131 = vector.load %arg9[%get3A_128, %get3A_129, %get3A_130] : memref<1x1x5120xf32, #tpu.memory_space<vmem>>, vector<1x1x512xf32>
      %get3A_132 = vector.shape_cast %get3A_131 : vector<1x1x512xf32> to vector<1x512xf32>
      %get3A_133 = arith.constant 0 : index
      %get3A_134 = arith.index_cast %multiple_of3A : i32 to index
      %get3A_135 = vector.load %arg12[%get3A_133, %get3A_134] : memref<1x5120xf32, #tpu.memory_space<vmem>>, vector<1x512xf32>
      %lt3A_136 = arith.constant 5.000000e-01 : f32
      %lt3A_137 = vector.broadcast %lt3A_136 : f32 to vector<1x512xf32>
      %lt3A_138 = arith.cmpf olt, %get3A_135, %lt3A_137 : vector<1x512xf32>
      %convert_element_type3A_139 = arith.extui %lt3A_138 : vector<1x512xi1> to vector<1x512xi32>
      %convert_element_type3A_140 = arith.sitofp %convert_element_type3A_139 : vector<1x512xi32> to vector<1x512xf32>
      %mul3A_141 = arith.mulf %get3A_132, %convert_element_type3A_140 : vector<1x512xf32>
      %while3A_142 = arith.constant true
      %while3A_143:2 = scf.while (%while3A_162 = %mul3A_141, %while3A_163 = %while3A_142) : (vector<1x512xf32>, i1) -> (vector<1x512xf32>, i1) {
        scf.condition(%while3A_163) %while3A_162, %while3A_163 : vector<1x512xf32>, i1
      } do {
      ^bb0(%while3A_162: vector<1x512xf32>, %while3A_163: i1):
        %convert_element_type3A_164 = arith.truncf %while3A_162 : vector<1x512xf32> to vector<1x512xbf16>
        %dot_general3A = arith.constant dense<0.000000e+00> : vector<1x512xf32>
        %dot_general3A_165 = tpu.matmul %convert_element_type3A_164, %convert_element_type3A_127, %dot_general3A {dimension_numbers = #tpu.dot_dimension_numbers<[1], [0], [0], [1], [0, 0, 1, 1], [], []>, transpose_lhs_hint = false} : vector<1x512xbf16>, vector<512x512xbf16>, vector<1x512xf32> -> vector<1x512xf32>
        %lt3A_166 = arith.constant 5.000000e-01 : f32
        %lt3A_167 = vector.broadcast %lt3A_166 : f32 to vector<1x512xf32>
        %lt3A_168 = arith.cmpf olt, %dot_general3A_165, %lt3A_167 : vector<1x512xf32>
        %convert_element_type3A_169 = arith.extui %lt3A_168 : vector<1x512xi1> to vector<1x512xi32>
        %convert_element_type3A_170 = arith.sitofp %convert_element_type3A_169 : vector<1x512xi32> to vector<1x512xf32>
        %mul3A_171 = arith.mulf %mul3A_141, %convert_element_type3A_170 : vector<1x512xf32>
        %ne3A_172 = arith.cmpf one, %mul3A_171, %while3A_162 : vector<1x512xf32>
        %reduce_or3A = arith.constant 1.000000e+00 : f32
        %reduce_or3A_173 = arith.constant 0.000000e+00 : f32
        %reduce_or3A_174 = vector.broadcast %reduce_or3A : f32 to vector<1x512xf32>
        %reduce_or3A_175 = vector.broadcast %reduce_or3A_173 : f32 to vector<1x512xf32>
        %reduce_or3A_176 = arith.select %ne3A_172, %reduce_or3A_174, %reduce_or3A_175 : vector<1x512xi1>, vector<1x512xf32>
        %reduce_or3A_177 = vector.shape_cast %reduce_or3A_176 : vector<1x512xf32> to vector<1x1x512xf32>
        %reduce_or3A_178 = arith.constant dense<0xFF800000> : vector<1xf32>
        %reduce_or3A_179 = vector.multi_reduction <maximumf>, %reduce_or3A_177, %reduce_or3A_178 [1, 2] : vector<1x1x512xf32> to vector<1xf32>
        %reduce_or3A_180 = vector.shape_cast %reduce_or3A_179 : vector<1xf32> to vector<1x1x1xf32>
        %reduce_or3A_181 = vector.extract %reduce_or3A_180[0, 0, 0] : f32 from vector<1x1x1xf32>
        %reduce_or3A_182 = arith.constant 0.000000e+00 : f32
        %reduce_or3A_183 = arith.cmpf ogt, %reduce_or3A_181, %reduce_or3A_182 : f32
        scf.yield %mul3A_171, %reduce_or3A_183 : vector<1x512xf32>, i1
      }
      %swap3A_144 = arith.constant 0 : index
      %swap3A_145 = arith.constant 0 : index
      %swap3A_146 = arith.index_cast %multiple_of3A : i32 to index
      %swap3A_147 = vector.load %arg11[%swap3A_144, %swap3A_145, %swap3A_146] : memref<1x1x5120xf32, #tpu.memory_space<vmem>>, vector<1x1x512xf32>
      %swap3A_148 = vector.shape_cast %swap3A_147 : vector<1x1x512xf32> to vector<1x512xf32>
      %swap3A_149 = vector.shape_cast %while3A_143#0 : vector<1x512xf32> to vector<1x1x512xf32>
      tpu.vector_store %arg11[%swap3A_144, %swap3A_145, %swap3A_146], %swap3A_149 {strides = array<i32>} : memref<1x1x5120xf32, #tpu.memory_space<vmem>>, vector<1x1x512xf32>,
      %convert_element_type3A_150 = arith.truncf %while3A_143#0 : vector<1x512xf32> to vector<1x512xbf16>
      %add3A_151 = arith.constant 1 : i32
      %add3A_152 = arith.addi %while3A_48, %add3A_151 : i32
      %while3A_153 = arith.constant 0 : i32
      %while3A_154 = arith.subi %select_n3A, %add3A_152 : i32
      %while3A_155 = arith.addi %add3A_152, %while3A_154 : i32
      %while3A_156 = arith.constant 1 : i32
      %while3A_157 = arith.divsi %while3A_154, %while3A_156 : i32
      %while3A_158 = arith.muli %while3A_157, %while3A_156 : i32
      %while3A_159 = arith.addi %add3A_152, %while3A_158 : i32
      %while3A_160 = arith.constant 1 : i32
      scf.for %while3A_162 = %add3A_152 to %while3A_159 step %while3A_160  : i32 {
        %mul3A_163 = arith.constant 512 : i32
        %mul3A_164 = arith.muli %while3A_162, %mul3A_163 : i32
        %multiple_of3A_165 = tpu.assume_multiple %mul3A_164, 512 : i32
        %get3A_166 = arith.constant 0 : index
        %get3A_167 = arith.constant 0 : index
        %get3A_168 = arith.index_cast %multiple_of3A_165 : i32 to index
        %get3A_169 = vector.load %arg5[%get3A_166, %get3A_167, %get3A_168] : memref<1x1x5120xf32, #tpu.memory_space<vmem>>, vector<1x1x512xf32>
        %get3A_170 = vector.shape_cast %get3A_169 : vector<1x1x512xf32> to vector<1x512xf32>
        %get3A_171 = arith.constant 0 : index
        %get3A_172 = arith.constant 0 : index
        %get3A_173 = arith.index_cast %multiple_of3A_165 : i32 to index
        %get3A_174 = vector.load %arg6[%get3A_171, %get3A_172, %get3A_173] : memref<1x1x5120xf32, #tpu.memory_space<vmem>>, vector<1x1x512xf32>
        %get3A_175 = vector.shape_cast %get3A_174 : vector<1x1x512xf32> to vector<1x512xf32>
        %get3A_176 = arith.constant 0 : index
        %get3A_177 = arith.constant 0 : index
        %get3A_178 = arith.index_cast %multiple_of3A_165 : i32 to index
        %get3A_179 = vector.load %arg7[%get3A_176, %get3A_177, %get3A_178] : memref<1x1x5120xf32, #tpu.memory_space<vmem>>, vector<1x1x512xf32>
        %get3A_180 = vector.shape_cast %get3A_179 : vector<1x1x512xf32> to vector<1x512xf32>
        %get3A_181 = arith.constant 0 : index
        %get3A_182 = arith.constant 0 : index
        %get3A_183 = arith.index_cast %multiple_of3A_165 : i32 to index
        %get3A_184 = vector.load %arg8[%get3A_181, %get3A_182, %get3A_183] : memref<1x1x5120xf32, #tpu.memory_space<vmem>>, vector<1x1x512xf32>
        %get3A_185 = vector.shape_cast %get3A_184 : vector<1x1x512xf32> to vector<1x512xf32>
        %sub3A_186 = arith.subf %get3A_180, %get3A_170 : vector<1x512xf32>
        %sub3A_187 = arith.subf %get3A_185, %get3A_175 : vector<1x512xf32>
        %mul3A_188 = arith.mulf %sub3A_186, %sub3A_187 : vector<1x512xf32>
        %max3A_189 = vector.broadcast %get3A_54 : vector<512x1xf32> to vector<512x512xf32>
        %max3A_190 = vector.broadcast %get3A_170 : vector<1x512xf32> to vector<512x512xf32>
        %max3A_191 = arith.maximumf %max3A_189, %max3A_190 : vector<512x512xf32>
        %max3A_192 = vector.broadcast %get3A_59 : vector<512x1xf32> to vector<512x512xf32>
        %max3A_193 = vector.broadcast %get3A_175 : vector<1x512xf32> to vector<512x512xf32>
        %max3A_194 = arith.maximumf %max3A_192, %max3A_193 : vector<512x512xf32>
        %min3A_195 = vector.broadcast %get3A_64 : vector<512x1xf32> to vector<512x512xf32>
        %min3A_196 = vector.broadcast %get3A_180 : vector<1x512xf32> to vector<512x512xf32>
        %min3A_197 = arith.minimumf %min3A_195, %min3A_196 : vector<512x512xf32>
        %min3A_198 = vector.broadcast %get3A_69 : vector<512x1xf32> to vector<512x512xf32>
        %min3A_199 = vector.broadcast %get3A_185 : vector<1x512xf32> to vector<512x512xf32>
        %min3A_200 = arith.minimumf %min3A_198, %min3A_199 : vector<512x512xf32>
        %sub3A_201 = arith.subf %min3A_197, %max3A_191 : vector<512x512xf32>
        %max3A_202 = arith.constant 0.000000e+00 : f32
        %max3A_203 = vector.broadcast %max3A_202 : f32 to vector<512x512xf32>
        %max3A_204 = arith.maximumf %max3A_203, %sub3A_201 : vector<512x512xf32>
        %sub3A_205 = arith.subf %min3A_200, %max3A_194 : vector<512x512xf32>
        %max3A_206 = arith.constant 0.000000e+00 : f32
        %max3A_207 = vector.broadcast %max3A_206 : f32 to vector<512x512xf32>
        %max3A_208 = arith.maximumf %max3A_207, %sub3A_205 : vector<512x512xf32>
        %mul3A_209 = arith.mulf %max3A_204, %max3A_208 : vector<512x512xf32>
        %add3A_210 = vector.broadcast %mul3A_72 : vector<512x1xf32> to vector<512x512xf32>
        %add3A_211 = vector.broadcast %mul3A_188 : vector<1x512xf32> to vector<512x512xf32>
        %add3A_212 = arith.addf %add3A_210, %add3A_211 : vector<512x512xf32>
        %sub3A_213 = arith.subf %add3A_212, %mul3A_209 : vector<512x512xf32>
        %add3A_214 = arith.constant 9.99999996E-13 : f32
        %add3A_215 = vector.broadcast %add3A_214 : f32 to vector<512x512xf32>
        %add3A_216 = arith.addf %sub3A_213, %add3A_215 : vector<512x512xf32>
        %div3A_217 = arith.divf %mul3A_209, %add3A_216 : vector<512x512xf32>
        %gt3A_218 = vector.broadcast %get3A_1 : vector<1x1xf32> to vector<512x512xf32>
        %gt3A_219 = arith.cmpf ogt, %div3A_217, %gt3A_218 : vector<512x512xf32>
        %convert_element_type3A_220 = arith.extui %gt3A_219 : vector<512x512xi1> to vector<512x512xi32>
        %convert_element_type3A_221 = arith.sitofp %convert_element_type3A_220 : vector<512x512xi32> to vector<512x512xf32>
        %convert_element_type3A_222 = arith.truncf %convert_element_type3A_221 : vector<512x512xf32> to vector<512x512xbf16>
        %dot_general3A = arith.constant dense<0.000000e+00> : vector<1x512xf32>
        %dot_general3A_223 = tpu.matmul %convert_element_type3A_150, %convert_element_type3A_222, %dot_general3A {dimension_numbers = #tpu.dot_dimension_numbers<[1], [0], [0], [1], [0, 0, 1, 1], [], []>, transpose_lhs_hint = false} : vector<1x512xbf16>, vector<512x512xbf16>, vector<1x512xf32> -> vector<1x512xf32>
        %get3A_224 = arith.constant 0 : index
        %get3A_225 = arith.index_cast %multiple_of3A_165 : i32 to index
        %get3A_226 = vector.load %arg12[%get3A_224, %get3A_225] : memref<1x5120xf32, #tpu.memory_space<vmem>>, vector<1x512xf32>
        %min3A_227 = arith.constant 1.000000e+00 : f32
        %min3A_228 = vector.broadcast %min3A_227 : f32 to vector<1x512xf32>
        %min3A_229 = arith.minimumf %dot_general3A_223, %min3A_228 : vector<1x512xf32>
        %max3A_230 = arith.maximumf %get3A_226, %min3A_229 : vector<1x512xf32>
        %swap3A_231 = arith.constant 0 : index
        %swap3A_232 = arith.index_cast %multiple_of3A_165 : i32 to index
        %swap3A_233 = vector.load %arg12[%swap3A_231, %swap3A_232] : memref<1x5120xf32, #tpu.memory_space<vmem>>, vector<1x512xf32>
        tpu.vector_store %arg12[%swap3A_231, %swap3A_232], %max3A_230 {strides = array<i32>} : memref<1x5120xf32, #tpu.memory_space<vmem>>, vector<1x512xf32>,
      }
      %while3A_161 = arith.constant 1 : i32
      scf.for %while3A_162 = %while3A_159 to %while3A_155 step %while3A_161  : i32 {
        %mul3A_163 = arith.constant 512 : i32
        %mul3A_164 = arith.muli %while3A_162, %mul3A_163 : i32
        %multiple_of3A_165 = tpu.assume_multiple %mul3A_164, 512 : i32
        %get3A_166 = arith.constant 0 : index
        %get3A_167 = arith.constant 0 : index
        %get3A_168 = arith.index_cast %multiple_of3A_165 : i32 to index
        %get3A_169 = vector.load %arg5[%get3A_166, %get3A_167, %get3A_168] : memref<1x1x5120xf32, #tpu.memory_space<vmem>>, vector<1x1x512xf32>
        %get3A_170 = vector.shape_cast %get3A_169 : vector<1x1x512xf32> to vector<1x512xf32>
        %get3A_171 = arith.constant 0 : index
        %get3A_172 = arith.constant 0 : index
        %get3A_173 = arith.index_cast %multiple_of3A_165 : i32 to index
        %get3A_174 = vector.load %arg6[%get3A_171, %get3A_172, %get3A_173] : memref<1x1x5120xf32, #tpu.memory_space<vmem>>, vector<1x1x512xf32>
        %get3A_175 = vector.shape_cast %get3A_174 : vector<1x1x512xf32> to vector<1x512xf32>
        %get3A_176 = arith.constant 0 : index
        %get3A_177 = arith.constant 0 : index
        %get3A_178 = arith.index_cast %multiple_of3A_165 : i32 to index
        %get3A_179 = vector.load %arg7[%get3A_176, %get3A_177, %get3A_178] : memref<1x1x5120xf32, #tpu.memory_space<vmem>>, vector<1x1x512xf32>
        %get3A_180 = vector.shape_cast %get3A_179 : vector<1x1x512xf32> to vector<1x512xf32>
        %get3A_181 = arith.constant 0 : index
        %get3A_182 = arith.constant 0 : index
        %get3A_183 = arith.index_cast %multiple_of3A_165 : i32 to index
        %get3A_184 = vector.load %arg8[%get3A_181, %get3A_182, %get3A_183] : memref<1x1x5120xf32, #tpu.memory_space<vmem>>, vector<1x1x512xf32>
        %get3A_185 = vector.shape_cast %get3A_184 : vector<1x1x512xf32> to vector<1x512xf32>
        %sub3A_186 = arith.subf %get3A_180, %get3A_170 : vector<1x512xf32>
        %sub3A_187 = arith.subf %get3A_185, %get3A_175 : vector<1x512xf32>
        %mul3A_188 = arith.mulf %sub3A_186, %sub3A_187 : vector<1x512xf32>
        %max3A_189 = vector.broadcast %get3A_54 : vector<512x1xf32> to vector<512x512xf32>
        %max3A_190 = vector.broadcast %get3A_170 : vector<1x512xf32> to vector<512x512xf32>
        %max3A_191 = arith.maximumf %max3A_189, %max3A_190 : vector<512x512xf32>
        %max3A_192 = vector.broadcast %get3A_59 : vector<512x1xf32> to vector<512x512xf32>
        %max3A_193 = vector.broadcast %get3A_175 : vector<1x512xf32> to vector<512x512xf32>
        %max3A_194 = arith.maximumf %max3A_192, %max3A_193 : vector<512x512xf32>
        %min3A_195 = vector.broadcast %get3A_64 : vector<512x1xf32> to vector<512x512xf32>
        %min3A_196 = vector.broadcast %get3A_180 : vector<1x512xf32> to vector<512x512xf32>
        %min3A_197 = arith.minimumf %min3A_195, %min3A_196 : vector<512x512xf32>
        %min3A_198 = vector.broadcast %get3A_69 : vector<512x1xf32> to vector<512x512xf32>
        %min3A_199 = vector.broadcast %get3A_185 : vector<1x512xf32> to vector<512x512xf32>
        %min3A_200 = arith.minimumf %min3A_198, %min3A_199 : vector<512x512xf32>
        %sub3A_201 = arith.subf %min3A_197, %max3A_191 : vector<512x512xf32>
        %max3A_202 = arith.constant 0.000000e+00 : f32
        %max3A_203 = vector.broadcast %max3A_202 : f32 to vector<512x512xf32>
        %max3A_204 = arith.maximumf %max3A_203, %sub3A_201 : vector<512x512xf32>
        %sub3A_205 = arith.subf %min3A_200, %max3A_194 : vector<512x512xf32>
        %max3A_206 = arith.constant 0.000000e+00 : f32
        %max3A_207 = vector.broadcast %max3A_206 : f32 to vector<512x512xf32>
        %max3A_208 = arith.maximumf %max3A_207, %sub3A_205 : vector<512x512xf32>
        %mul3A_209 = arith.mulf %max3A_204, %max3A_208 : vector<512x512xf32>
        %add3A_210 = vector.broadcast %mul3A_72 : vector<512x1xf32> to vector<512x512xf32>
        %add3A_211 = vector.broadcast %mul3A_188 : vector<1x512xf32> to vector<512x512xf32>
        %add3A_212 = arith.addf %add3A_210, %add3A_211 : vector<512x512xf32>
        %sub3A_213 = arith.subf %add3A_212, %mul3A_209 : vector<512x512xf32>
        %add3A_214 = arith.constant 9.99999996E-13 : f32
        %add3A_215 = vector.broadcast %add3A_214 : f32 to vector<512x512xf32>
        %add3A_216 = arith.addf %sub3A_213, %add3A_215 : vector<512x512xf32>
        %div3A_217 = arith.divf %mul3A_209, %add3A_216 : vector<512x512xf32>
        %gt3A_218 = vector.broadcast %get3A_1 : vector<1x1xf32> to vector<512x512xf32>
        %gt3A_219 = arith.cmpf ogt, %div3A_217, %gt3A_218 : vector<512x512xf32>
        %convert_element_type3A_220 = arith.extui %gt3A_219 : vector<512x512xi1> to vector<512x512xi32>
        %convert_element_type3A_221 = arith.sitofp %convert_element_type3A_220 : vector<512x512xi32> to vector<512x512xf32>
        %convert_element_type3A_222 = arith.truncf %convert_element_type3A_221 : vector<512x512xf32> to vector<512x512xbf16>
        %dot_general3A = arith.constant dense<0.000000e+00> : vector<1x512xf32>
        %dot_general3A_223 = tpu.matmul %convert_element_type3A_150, %convert_element_type3A_222, %dot_general3A {dimension_numbers = #tpu.dot_dimension_numbers<[1], [0], [0], [1], [0, 0, 1, 1], [], []>, transpose_lhs_hint = false} : vector<1x512xbf16>, vector<512x512xbf16>, vector<1x512xf32> -> vector<1x512xf32>
        %get3A_224 = arith.constant 0 : index
        %get3A_225 = arith.index_cast %multiple_of3A_165 : i32 to index
        %get3A_226 = vector.load %arg12[%get3A_224, %get3A_225] : memref<1x5120xf32, #tpu.memory_space<vmem>>, vector<1x512xf32>
        %min3A_227 = arith.constant 1.000000e+00 : f32
        %min3A_228 = vector.broadcast %min3A_227 : f32 to vector<1x512xf32>
        %min3A_229 = arith.minimumf %dot_general3A_223, %min3A_228 : vector<1x512xf32>
        %max3A_230 = arith.maximumf %get3A_226, %min3A_229 : vector<1x512xf32>
        %swap3A_231 = arith.constant 0 : index
        %swap3A_232 = arith.index_cast %multiple_of3A_165 : i32 to index
        %swap3A_233 = vector.load %arg12[%swap3A_231, %swap3A_232] : memref<1x5120xf32, #tpu.memory_space<vmem>>, vector<1x512xf32>
        tpu.vector_store %arg12[%swap3A_231, %swap3A_232], %max3A_230 {strides = array<i32>} : memref<1x5120xf32, #tpu.memory_space<vmem>>, vector<1x512xf32>,
      }
    }
    return
  }
  func.func @transform_0(%arg0: i32) -> (i32, i32, i32) {
    %c0_i32 = arith.constant 0 : i32
    %c0_i32_0 = arith.constant 0 : i32
    %c0_i32_1 = arith.constant 0 : i32
    return %arg0, %c0_i32, %c0_i32_0 : i32, i32, i32
  }
  func.func @transform_1(%arg0: i32) -> (i32, i32, i32) {
    %c0_i32 = arith.constant 0 : i32
    %c0_i32_0 = arith.constant 0 : i32
    %c0_i32_1 = arith.constant 0 : i32
    return %arg0, %c0_i32, %c0_i32_0 : i32, i32, i32
  }
  func.func @transform_2(%arg0: i32) -> (i32, i32, i32) {
    %c0_i32 = arith.constant 0 : i32
    %c0_i32_0 = arith.constant 0 : i32
    %c0_i32_1 = arith.constant 0 : i32
    return %arg0, %c0_i32, %c0_i32_0 : i32, i32, i32
  }
  func.func @transform_3(%arg0: i32) -> (i32, i32, i32) {
    %c0_i32 = arith.constant 0 : i32
    %c0_i32_0 = arith.constant 0 : i32
    %c0_i32_1 = arith.constant 0 : i32
    return %arg0, %c0_i32, %c0_i32_0 : i32, i32, i32
  }
  func.func @transform_4(%arg0: i32) -> (i32, i32, i32) {
    %c0_i32 = arith.constant 0 : i32
    %c0_i32_0 = arith.constant 0 : i32
    %c0_i32_1 = arith.constant 0 : i32
    return %arg0, %c0_i32, %c0_i32_0 : i32, i32, i32
  }
  func.func @transform_5(%arg0: i32) -> (i32, i32, i32) {
    %c0_i32 = arith.constant 0 : i32
    %c0_i32_0 = arith.constant 0 : i32
    %c0_i32_1 = arith.constant 0 : i32
    return %arg0, %c0_i32, %c0_i32_0 : i32, i32, i32
  }
  func.func @transform_6(%arg0: i32) -> (i32, i32, i32) {
    %c0_i32 = arith.constant 0 : i32
    %c0_i32_0 = arith.constant 0 : i32
    %c0_i32_1 = arith.constant 0 : i32
    return %arg0, %c0_i32, %c0_i32_0 : i32, i32, i32
  }
  func.func @transform_7(%arg0: i32) -> (i32, i32, i32) {
    %c0_i32 = arith.constant 0 : i32
    %c0_i32_0 = arith.constant 0 : i32
    %c0_i32_1 = arith.constant 0 : i32
    return %arg0, %c0_i32, %c0_i32_0 : i32, i32, i32
  }
  func.func @transform_8(%arg0: i32) -> (i32, i32, i32) {
    %c0_i32 = arith.constant 0 : i32
    %c0_i32_0 = arith.constant 0 : i32
    %c0_i32_1 = arith.constant 0 : i32
    return %arg0, %c0_i32, %c0_i32_0 : i32, i32, i32
  }
  func.func @transform_9(%arg0: i32) -> (i32, i32) {
    %c0_i32 = arith.constant 0 : i32
    %c0_i32_0 = arith.constant 0 : i32
    %c0_i32_1 = arith.constant 0 : i32
    return %c0_i32, %c0_i32_0 : i32, i32
  }
  func.func @transform_10(%arg0: i32) -> (i32, i32, i32) {
    %c0_i32 = arith.constant 0 : i32
    %c0_i32_0 = arith.constant 0 : i32
    %c0_i32_1 = arith.constant 0 : i32
    return %arg0, %c0_i32, %c0_i32_0 : i32, i32, i32
  }
}

</mosaic_0001>

<sc_bundles>
// kernel: kernel.6.cloned.1.call-start
scs
__scs_entry_jumppad:
0x0: {  	(pc) =	sbr.rel $0x88, $3  }
0x1: {  	(tag) =	ssettag $0x0;
	lr =	simm.s32 $0x1  }
0x2: {  	[smem:$0x3F9C] =	sst lr;
	_ =	strace $0xD0000000  }
0x3: {  	_ = 	snop  }
0x4: {  	_ = 	snop  }
0x5: {  	_ = 	snop  }
0x6: {  	_ = 	snop  }
0x7: {  	_ = 	snop  }
__scs_overlays_trampoline_lowered:
0x8: {  	[smem:$0x3FAB] =	sst s0  }
0x9: {  	[smem:$0x3FAC] =	sst s1  }
0xa: {  	[smem:$0x3FAD] =	sst s2  }
0xb: {  	[smem:$0x3FAE] =	sst s3  }
0xc: {  	[smem:$0x3FAF] =	sst s4  }
0xd: {  	[smem:$0x3FB0] =	sst s5  }
0xe: {  	[smem:$0x3FB1] =	sst s6  }
0xf: {  	[smem:$0x3FB2] =	sst s7  }
0x10: {  	[smem:$0x3FB3] =	sst s8  }
0x11: {  	[smem:$0x3FB4] =	sst s9;
	s0 =	simm.s32 @!p0 $0x0  }
0x12: {  	s1 =	sld [smem:$0x3F9A];
	s0 =	simm.s32 @p0 $0x1  }
0x13: {  	[smem:$0x3FB5] =	sst s0;
	s0 =	simm.s32 @!p1 $0x0  }
0x14: {  	s2 =	sld [smem:$0x3F99];
	s0 =	simm.s32 @p1 $0x1  }
0x15: {  	[smem:$0x3FB6] =	sst s0;
	s0 =	simm.s32 @!p2 $0x0  }
0x16: {  	s3 =	sld [smem:$0x3FDB];
	s0 =	simm.s32 @p2 $0x1  }
0x17: {  	s4 =	simm.s32 $0x1BF5;
	[smem:$0x3FB8] =	sst s0  }
0x18: {  	s0 =	sld [smem:$0x3F9B];
	_ =	swait.ge [sflag:s4], $0x0  }
0x19: {  	s7 =	sld [smem:$0x3F9C]  }
0x1a: {  	s8 =	sadd.s32 $0xFFFFE003, lr  }
0x1b: {  	s9 =	sadd.s32 $0xFFFFFEF7, lr;
	s5 =	simm.s32 $0xFFFFFFFF;
	p2 =	slt.u32 s8, $0xFFFFF086  }
0x1c: {  	p1 =	slt.u32 s9, $0xF7A;
	s5 =	simm.s32 @!p2 $0x0  }
0x1d: {  	s5 =	simm.s32 @p1 $0x1;
	p0 =	seq.s32 s7, s2  }
0x1e: {  	s7 =	smul.u32 @!p0 $0xF7A, s2;
	p2 =	seq.s32 @!p0 s5, $0x0  }
0x1f: {  	s9 =	smul.u32 $0xF7A, s1;
	s8 =	simm.s32 @!p0 $0x1BF5;
	p2 =	por !p2, p0  }
0x20: {  	[sflag:s8] =	ssyncset.s32 @!p0 $0xFFFFF086;
	s6 =	sadd.s32 @!p0 s3, s7;
	s7 =	simm.s32 @!p0 $0x108  }
0x21: {  	s3 =	sadd.s32 s3, s9;
	s6 =	sadd.s32 @!p0 $0x88, s6;
	s7 =	simm.s32 @p2 $0x1082  }
0x22: {  	[simem:s7], [sflag:s8] =	dma.local @!p0 [hbm:s6], $0xF7A  }
0x23: {  	s9 =	sor.u32 $0xD0000000, s2;
	s6 =	simm.s32 $0x108;
	_ =	swait.ge @!p0 [sflag:s8], $0x0  }
0x24: {  	s3 =	sadd.s32 $0x88, s3;
	s6 =	simm.s32 @!p1 $0x1082;
	[sflag:s4] =	ssyncset.s32 $0xFFFFF086  }
0x25: {  	[simem:s6], [sflag:s4] =	dma.local [hbm:s3], $0xF7A  }
0x26: {  	[smem:$0x3F9C] =	sst s1;
	(tag) =	ssettag s2;
	_ =	strace s9  }
0x27: {  	s1 =	sld [smem:$0x3FAC]  }
0x28: {  	s2 =	sld [smem:$0x3FAD]  }
0x29: {  	s4 =	sld [smem:$0x3FAF]  }
0x2a: {  	p0 =	seq.s32 s5, $0x0;
	s5 =	sld [smem:$0x3FB0]  }
0x2b: {  	s6 =	sld [smem:$0x3FB1]  }
0x2c: {  	s7 =	sld [smem:$0x3FB2]  }
0x2d: {  	s3 =	simm.s32 $0x108;
	s8 =	sld [smem:$0x3FB3]  }
0x2e: {  	s3 =	simm.s32 @!p0 $0x1082;
	s9 =	sld [smem:$0x3FB4]  }
0x2f: {  	lr =	sadd.s32 s0, s3;
	s0 =	sld [smem:$0x3FAB]  }
0x30: {  	s3 =	sld [smem:$0x3FAE]  }
0x31: {  	[smem:$0x3FB7] =	sst s10  }
0x32: {  	s10 =	sld [smem:$0x3FB5];
	_ =	sdelay $0x3  }
0x33: {  	p0 =	seq.s32 s10, $0x1;
	s10 =	sld [smem:$0x3FB7];
	_ =	sdelay $0x3  }
0x34: {  	[smem:$0x3FB7] =	sst s10  }
0x35: {  	s10 =	sld [smem:$0x3FB6];
	_ =	sdelay $0x3  }
0x36: {  	p1 =	seq.s32 s10, $0x1;
	s10 =	sld [smem:$0x3FB7];
	_ =	sdelay $0x3  }
0x37: {  	[smem:$0x3FB7] =	sst s10  }
0x38: {  	s10 =	sld [smem:$0x3FB8]  }
0x39: {  	_ = 	snop;
	(pc) =	sbr.ind lr, $3  }
0x3a: {  	_ = 	snop  }
0x3b: {  	_ = 	snop  }
0x3c: {  	p2 =	seq.s32 s10, $0x1;
	s10 =	sld [smem:$0x3FB7]  }
0x3d: {  	_ =	shalt  }
0x3e: {  	_ =	shalt  }
0x3f: {  	_ =	shalt  }
0x40: {  	_ =	shalt  }
0x41: {  	_ =	shalt  }
0x42: {  	_ =	shalt  }
0x43: {  	_ =	shalt  }
0x44: {  	_ =	shalt  }
0x45: {  	_ =	shalt  }
0x46: {  	_ =	shalt  }
0x47: {  	_ =	shalt  }
0x48: {  	_ =	shalt  }
0x49: {  	_ =	shalt  }
0x4a: {  	_ =	shalt  }
0x4b: {  	_ =	shalt  }
0x4c: {  	_ =	shalt  }
0x4d: {  	_ =	shalt  }
0x4e: {  	_ =	shalt  }
0x4f: {  	_ =	shalt  }
0x50: {  	_ =	shalt  }
0x51: {  	_ =	shalt  }
0x52: {  	_ =	shalt  }
0x53: {  	_ =	shalt  }
0x54: {  	_ =	shalt  }
0x55: {  	_ =	shalt  }
0x56: {  	_ =	shalt  }
0x57: {  	_ =	shalt  }
0x58: {  	_ =	shalt  }
0x59: {  	_ =	shalt  }
0x5a: {  	_ =	shalt  }
0x5b: {  	_ =	shalt  }
0x5c: {  	_ =	shalt  }
0x5d: {  	_ =	shalt  }
0x5e: {  	_ =	shalt  }
0x5f: {  	_ =	shalt  }
0x60: {  	_ =	shalt  }
0x61: {  	_ =	shalt  }
0x62: {  	_ =	shalt  }
0x63: {  	_ =	shalt  }
0x64: {  	_ =	shalt  }
0x65: {  	_ =	shalt  }
0x66: {  	_ =	shalt  }
0x67: {  	_ =	shalt  }
0x68: {  	_ =	shalt  }
0x69: {  	_ =	shalt  }
0x6a: {  	_ =	shalt  }
0x6b: {  	_ =	shalt  }
0x6c: {  	_ =	shalt  }
0x6d: {  	_ =	shalt  }
0x6e: {  	_ =	shalt  }
0x6f: {  	_ =	shalt  }
0x70: {  	_ =	shalt  }
0x71: {  	_ =	shalt  }
0x72: {  	_ =	shalt  }
0x73: {  	_ =	shalt  }
0x74: {  	_ =	shalt  }
0x75: {  	_ =	shalt  }
0x76: {  	_ =	shalt  }
0x77: {  	_ =	shalt  }
0x78: {  	_ =	shalt  }
0x79: {  	_ =	shalt  }
0x7a: {  	_ =	shalt  }
0x7b: {  	_ =	shalt  }
0x7c: {  	_ =	shalt  }
0x7d: {  	_ =	shalt  }
0x7e: {  	_ =	shalt  }
0x7f: {  	_ =	shalt  }
0x80: {  	_ =	shalt  }
0x81: {  	_ =	shalt  }
0x82: {  	_ =	shalt  }
0x83: {  	_ =	shalt  }
0x84: {  	_ =	shalt  }
0x85: {  	_ =	shalt  }
0x86: {  	_ =	shalt  }
0x87: {  	_ =	shalt  }
.Lfunc_end0:
.L_simem_size_0:
called_computation_lowered:
.L_overlay_start_0:
0x88: {  	s2 =	sld [smem:$0x3FD9]  }
0x89: {  	s3 =	sld [smem:$0x3FFE];
	_ =	sdelay $0x1  }
0x8a: {  	s1 =	srdreg.scid  }
0x8b: {  	s0 =	sand.u32 $0x1, s1  }
0x8c: {  	s14 =	sshll.u32 s0, $0xA;
	s2 =	sadd.s32 s3, s2  }
0x8d: {  	s2 =	sadd.s32 s2, s14  }
0x8e: {  	[smem:$0x3FC3] =	sst s2  }
0x8f: {  	_ = 	snop  }
0x90: {  	s2 =	sld [smem:$0x3FD0];
	_ =	sdelay $0x2  }
0x91: {  	s15 =	simm.s32 $0xA;
	s4 =	simm.s32 $0x10  }
0x92: {  	[smem:s4], [sflag:s15] =	dma.local [hbm:s2], $0x1  }
0x93: {  	_ =	swait.eq [sflag:s15], $0x1  }
0x94: {  	[sflag:s15] =	ssyncset.done $0x0  }
0x95: {  	[sflag:s15] =	ssyncadd.s32 $0xFFFFFFFF  }
0x96: {  	s16 =	sld [smem:$0x12];
	(tm) =	ssettm $0x1  }
0x97: {  	s17 =	sld [smem:$0x3FFB];
	_ =	sdelay $0x3  }
0x98: {  	_ =	strace s17  }
0x99: {  	s3 =	sld [smem:$0x3FFC];
	_ =	sdelay $0x3  }
0x9a: {  	_ =	strace s3  }
0x9b: {  	s3 =	sld [smem:$0x3FFD];
	_ =	sdelay $0x3  }
0x9c: {  	_ =	strace s3  }
0x9d: {  	_ =	strace $0x8FFFFFFF  }
0x9e: {  	s18 =	sld [smem:$0x3FDB];
	_ =	sdelay $0x1  }
0x9f: {  	s19 =	simm.s32 $_scs_section_size  }
0xa0: {  	s5 =	simm.s32 $_size__tile_overlayer_lowered;
	s6 =	simm.s32 $_tile_overlayer_lowered  }
0xa1: {  	s22 =	simm.s32 $0x1BFF;
	s21 =	sshll.u32 s6, $0x1;
	s3 =	sadd.s32 s19, s18  }
0xa2: {  	s7 =	simm.s32 $0x0;
	s20 =	sshll.u32 s5, $0x1;
	s5 =	sadd.s32 s21, s3  }
0xa3: {  	[timem:s7], [sflag:s22] =	dma.local [hbm:s5], s20  }
0xa4: {  	_ =	swait.ge [sflag:s22], s20  }
0xa5: {  	s4 =	ssub.s32 $0x0, s20;
	[sflag:s22] =	ssyncset.done $0x0  }
0xa6: {  	[sflag:s22] =	ssyncadd.s32 s4;
	_ =	sdelay $0x1  }
0xa7: {  	s23 =	simm.s32 $0x1B8B  }
0xa8: {  	_ =	swait.ge [sflag:s23], $0x1  }
0xa9: {  	[sflag:s23] =	ssyncset.done $0x0  }
0xaa: {  	s25 =	simm.s32 $0x1B8E;
	s24 =	sld [smem:$0x3FFE];
	[sflag:s23] =	ssyncadd.s32 $0xFFFFFFFF  }
0xab: {  	s26 =	simm.s32 $execute0_lowered;
	[smem:$0x3FD2] =	sst s25  }
0xac: {  	s5 =	sshll.u32 s26, $0x1;
	_ =	strace $0x80000046;
	[dreg:$0x1] =	wrdreg $0xFFFFFFFF  }
0xad: {  	s28 =	simm.s32 $_size_execute0_lowered;
	s3 =	sadd.s32 s3, s5;
	[dreg:$0x0] =	wrdreg $0x0  }
0xae: {  	s5 =	sshll.u32 s28, $0x1;
	[dreg:$0x2] =	wrdreg s3  }
0xaf: {  	[dreg:$0x3] =	wrdreg s5  }
0xb0: {  	[dreg:$0x4] =	wrdreg $0xC0  }
0xb1: {  	_ =	task [dreg:s7], $0x5FFFF  }
0xb2: {  	[dreg:$0x1] =	wrdreg $0xFFFFFFFF  }
0xb3: {  	[dreg:$0x0] =	wrdreg $0x60  }
0xb4: {  	[dreg:$0x2] =	wrdreg s24  }
0xb5: {  	[dreg:$0x3] =	wrdreg s16  }
0xb6: {  	[dreg:$0x4] =	wrdreg $0x9  }
0xb7: {  	_ =	task.clear_ibuf [dreg:s7], $0x5FFFF;
	_ =	strace $0x90000046  }
0xb8: {  	s29 =	simm.s32 $0x9;
	_ =	strace $0x80000048  }
0xb9: {  	_ =	swait.ge [sflag:s29], $0x1  }
0xba: {  	[sflag:s29] =	ssyncadd.s32 $0xFFFFFFFF  }
0xbb: {  	_ =	strace $0x90000048  }
0xbc: {  	_ =	sfence  }
0xbd: {  	s30 =	sld [smem:$0x0];
	_ =	sdelay $0x2  }
0xbe: {  	s31 =	sshll.u32 s1, $0xD;
	s1 =	sshrl.u32 s1, $0x2  }
0xbf: {  	s3 =	sand.u32 $0x4000, s31;
	s1 =	sadd.s32 s1, s30  }
0xc0: {  	s0 =	sor.u32 s3, s0;
	s1 =	sshll.u32 s1, $0x11  }
0xc1: {  	s0 =	sor.u32 s1, s0  }
0xc2: {  	s0 =	sadd.s32 $0x8F2B, s0  }
0xc3: {  	[sflag:s0] =	ssyncadd.remote.s32 $0x1  }
0xc4: {  	_ =	sfence.sel $0xFFFF  }
0xc5: {  	[dreg:$0x0] =	wrdreg $0xFFFFFFFF;
	(pc) =	sbr.abs _section_cstart, $3  }
0xc6: {  	[dreg:$0x1] =	wrdreg $0xFFFFFFFF  }
0xc7: {  	_ =	task.clear_ibuf [dreg:s7], $0x2FFFF;
	_ =	strace $0x9FFFFFFF  }
0xc8: {  	(tm) =	ssettm $0x7FFFFFFF  }
0xc9: {  	_ =	shalt  }
tec
execute0_lowered:
.L_overlay_start_1:
0x0: {  	(tag) =	ssettag $0x1  }
0x1: {  	s1 =	srdreg.scid;
	s0 =	stileid.u32  }
0x2: {  	s2 =	rddreg [dreg:$0x0];
	s17 =	sand.u32 $0x1, s1;
	s5 =	sshll.u32 s0, $0x1  }
0x3: {  	s4 =	rddreg [dreg:$0x1];
	s18 =	sor.u32 s17, s5  }
0x4: {  	s3 =	simm.s32 $0x0;
	s1 =	rddreg [dreg:$0x2];
	s5 =	smul.u32 $0x50, s18  }
0x5: {  	s6 =	simm.s32 $0x1400;
	[smem:$0x7FF] =	sst s3  }
0x6: {  	_ =	strace $0x80000047;
	s4 =	sadd.s32 s4, s5;
	s5 =	simm.s32 $0x2  }
0x7: {  	[tilespmem:s6], [sflag:$0x2] =	stream.linear.gather [hbm4b:s4+s3], $0x280, $0x38;
	[tilespmem:$0x1680] =	vst v63  }
0x8: {  	_ =	swait.ge [sflag:s5], $0x280  }
0x9: {  	[sflag:s5] =	ssyncset.done $0x0  }
0xa: {  	s7 =	simm.s32 $0x80;
	[sflag:s5] =	ssyncadd.s32 $0xFFFFFD80  }
0xb: {  	[tilespmem:s3], [sflag:$0x1] =	stream.indirect.gather [hbm4b:s2+s7], $0x8, s6, s7, $0xb8;
	[tilespmem:$0x1680] =	vst v63  }
0xc: {  	s8 =	simm.s32 $0x1480;
	s9 =	simm.s32 $0x400  }
0xd: {  	[tilespmem:s9], [sflag:$0x1] =	stream.indirect.gather [hbm4b:s2+s7], $0x8, s8, s7, $0xb8;
	[tilespmem:$0x1680] =	vst v63  }
0xe: {  	s10 =	simm.s32 $0x1500;
	s11 =	simm.s32 $0x800  }
0xf: {  	[tilespmem:s11], [sflag:$0x1] =	stream.indirect.gather [hbm4b:s2+s7], $0x8, s10, s7, $0xb8;
	[tilespmem:$0x1680] =	vst v63  }
0x10: {  	s12 =	simm.s32 $0x1580;
	s13 =	simm.s32 $0xC00  }
0x11: {  	[tilespmem:s13], [sflag:$0x1] =	stream.indirect.gather [hbm4b:s2+s7], $0x8, s12, s7, $0xb8;
	[tilespmem:$0x1680] =	vst v63  }
0x12: {  	s14 =	simm.s32 $0x1600;
	s15 =	simm.s32 $0x1000;
	s16 =	simm.s32 $0x1  }
0x13: {  	[tilespmem:s15], [sflag:$0x1] =	stream.indirect.gather [hbm4b:s2+s7], $0x8, s14, s7, $0xb8;
	[tilespmem:$0x1680] =	vst v63  }
0x14: {  	_ =	swait.ge [sflag:s16], $0x400  }
0x15: {  	[sflag:s16] =	ssyncset.done $0x0  }
0x16: {  	[sflag:s16] =	ssyncadd.s32 $0xFFFFFC00  }
0x17: {  	_ =	swait.ge [sflag:s16], $0x400  }
0x18: {  	[sflag:s16] =	ssyncset.done $0x0  }
0x19: {  	[sflag:s16] =	ssyncadd.s32 $0xFFFFFC00  }
0x1a: {  	_ =	swait.ge [sflag:s16], $0x400  }
0x1b: {  	[sflag:s16] =	ssyncset.done $0x0  }
0x1c: {  	s17 =	ssub.s32 $0x2, s17;
	[sflag:s16] =	ssyncadd.s32 $0xFFFFFC00  }
0x1d: {  	s19 =	sshrl.u32 s17, $0x1;
	_ =	swait.ge [sflag:s16], $0x400  }
0x1e: {  	s19 =	ssub.s32 s17, s19;
	[sflag:s16] =	ssyncset.done $0x0  }
0x1f: {  	s18 =	smul.u32 $0x280, s18;
	s31 =	smax.u32 s19, $0x1;
	[sflag:s16] =	ssyncadd.s32 $0xFFFFFC00  }
0x20: {  	p0 =	sne.s32 s31, $0x1;
	_ =	swait.ge [sflag:s16], $0x400  }
.Ltmp0:
0x21: {  	s30 =	sadd.s32 s18, s2;
	[sflag:s16] =	ssyncset.done $0x0;
	(pc) =	sbr.rel @!p0 .LBB2_2-.Ltmp0, $4  }
0x22: {  	s17 =	sadd.s32 $0x5000, s30;
	[sflag:s16] =	ssyncadd.s32 $0xFFFFFC00  }
0x23: {  	[hbm4b:s17+s3] =	stream.linear.scatter [tilespmem:s3], [sflag:$0x2], $0x1400, $0x38;
	[tilespmem:$0x1680] =	vst v63  }
0x24: {  	_ =	swait.ge [sflag:s5], $0x1400  }
0x25: {  	s18 =	sadd.s32 $0xFFFFFFFF, s31;
	[sflag:s5] =	ssyncset.done $0x0  }
.LBB2_1:
0x26: {  	p0 =	sne.s32 s18, $0x1;
	s18 =	sadd.s32 $0xFFFFFFFF, s18;
	[sflag:s5] =	ssyncadd.s32 $0xFFFFEC00  }
0x27: {  	[tilespmem:s6], [sflag:$0x2] =	stream.linear.gather [hbm4b:s4+s3], $0x280, $0x38;
	[tilespmem:$0x1680] =	vst v63  }
0x28: {  	_ =	swait.ge [sflag:s5], $0x280  }
0x29: {  	[sflag:s5] =	ssyncset.done $0x0  }
0x2a: {  	[sflag:s5] =	ssyncadd.s32 $0xFFFFFD80  }
0x2b: {  	[tilespmem:s3], [sflag:$0x1] =	stream.indirect.gather [hbm4b:s2+s7], $0x8, s6, s7, $0xb8;
	[tilespmem:$0x1680] =	vst v63  }
0x2c: {  	_ = 	snop  }
0x2d: {  	[tilespmem:s9], [sflag:$0x1] =	stream.indirect.gather [hbm4b:s2+s7], $0x8, s8, s7, $0xb8;
	[tilespmem:$0x1680] =	vst v63  }
0x2e: {  	_ = 	snop  }
0x2f: {  	[tilespmem:s11], [sflag:$0x1] =	stream.indirect.gather [hbm4b:s2+s7], $0x8, s10, s7, $0xb8;
	[tilespmem:$0x1680] =	vst v63  }
0x30: {  	_ = 	snop  }
0x31: {  	[tilespmem:s13], [sflag:$0x1] =	stream.indirect.gather [hbm4b:s2+s7], $0x8, s12, s7, $0xb8;
	[tilespmem:$0x1680] =	vst v63  }
0x32: {  	_ = 	snop  }
0x33: {  	[tilespmem:s15], [sflag:$0x1] =	stream.indirect.gather [hbm4b:s2+s7], $0x8, s14, s7, $0xb8;
	[tilespmem:$0x1680] =	vst v63  }
0x34: {  	_ =	swait.ge [sflag:s16], $0x400  }
0x35: {  	[sflag:s16] =	ssyncset.done $0x0  }
0x36: {  	[sflag:s16] =	ssyncadd.s32 $0xFFFFFC00  }
0x37: {  	_ =	swait.ge [sflag:s16], $0x400  }
0x38: {  	[sflag:s16] =	ssyncset.done $0x0  }
0x39: {  	[sflag:s16] =	ssyncadd.s32 $0xFFFFFC00  }
0x3a: {  	_ =	swait.ge [sflag:s16], $0x400  }
0x3b: {  	[sflag:s16] =	ssyncset.done $0x0  }
0x3c: {  	[sflag:s16] =	ssyncadd.s32 $0xFFFFFC00  }
0x3d: {  	_ =	swait.ge [sflag:s16], $0x400  }
0x3e: {  	[sflag:s16] =	ssyncset.done $0x0  }
0x3f: {  	[sflag:s16] =	ssyncadd.s32 $0xFFFFFC00  }
0x40: {  	_ =	swait.ge [sflag:s16], $0x400  }
.Ltmp1:
0x41: {  	[sflag:s16] =	ssyncset.done $0x0;
	(pc) =	sbr.rel @p0 .LBB2_1-.Ltmp1, $4  }
0x42: {  	[sflag:s16] =	ssyncadd.s32 $0xFFFFFC00  }
0x43: {  	[hbm4b:s17+s3] =	stream.linear.scatter [tilespmem:s3], [sflag:$0x2], $0x1400, $0x38;
	[tilespmem:$0x1680] =	vst v63  }
0x44: {  	_ =	swait.ge [sflag:s5], $0x1400  }
0x45: {  	[sflag:s5] =	ssyncset.done $0x0  }
.LBB2_2:
0x46: {  	[sflag:s5] =	ssyncadd.s32 $0xFFFFEC00  }
0x47: {  	_ =	sfence.sel $0x180000  }
0x48: {  	[bflag:$0x0] =	sbarrier.arrive $0xFFFF  }
0x49: {  	p0 =	sne.s32 s0, $0x0;
	_ =	strace $0x90000047  }
0x4a: {  	s0 =	sadd.s32 @!p0 $0x100000, s1;
	[bflag:$0x2] =	sbarrier.arrive $0xFFFF  }
0x4b: {  	[sflag:s0] =	ssyncadd.tile.s32 @!p0 $0x1;
	_ =	shalt  }
.Lfunc_end2:
_tile_overlayer_lowered:
.L_overlay_start_2:
0x4c: {  	(tag) =	ssettag $0x2  }
0x4d: {  	s0 =	rddreg [dreg:$0x0];
	s2 =	stileid.u32  }
0x4e: {  	s1 =	rddreg [dreg:$0x1];
	p0 =	sne.s32 s2, $0x0  }
0x4f: {  	s3 =	rddreg [dreg:$0x2];
	[bflag:$0x3] =	sbarrier.arrive $0xFFFF;
	s2 =	simm.s32 @!p0 $0x1C02  }
0x50: {  	[timem:s3], [sflag:s2] =	dma.local @!p0 [hbm:s0], s1  }
0x51: {  	s0 =	simm.s32 @!p0 $0x2  }
0x52: {  	_ =	swait.ge @!p0 [sflag:s0], s1  }
0x53: {  	s1 =	ssub.s32 @!p0 $0x0, s1;
	[sflag:s0] =	ssyncset.done @!p0 $0x0  }
0x54: {  	[sflag:s0] =	ssyncadd.s32 @!p0 s1  }
0x55: {  	[bflag:$0x3] =	sbarrier.arrive $0xFFFF  }
0x56: {  	_ =	shalt  }

// kernel: kernel.9.cloned.1.call-start
scs
__scs_entry_jumppad:
0x0: {  	(pc) =	sbr.rel $0x88, $3  }
0x1: {  	(tag) =	ssettag $0x0;
	lr =	simm.s32 $0x1  }
0x2: {  	[smem:$0x3F9C] =	sst lr;
	_ =	strace $0xD0000000  }
0x3: {  	_ = 	snop  }
0x4: {  	_ = 	snop  }
0x5: {  	_ = 	snop  }
0x6: {  	_ = 	snop  }
0x7: {  	_ = 	snop  }
__scs_overlays_trampoline_lowered:
0x8: {  	[smem:$0x3FAB] =	sst s0  }
0x9: {  	[smem:$0x3FAC] =	sst s1  }
0xa: {  	[smem:$0x3FAD] =	sst s2  }
0xb: {  	[smem:$0x3FAE] =	sst s3  }
0xc: {  	[smem:$0x3FAF] =	sst s4  }
0xd: {  	[smem:$0x3FB0] =	sst s5  }
0xe: {  	[smem:$0x3FB1] =	sst s6  }
0xf: {  	[smem:$0x3FB2] =	sst s7  }
0x10: {  	[smem:$0x3FB3] =	sst s8  }
0x11: {  	[smem:$0x3FB4] =	sst s9;
	s0 =	simm.s32 @!p0 $0x0  }
0x12: {  	s1 =	sld [smem:$0x3F9A];
	s0 =	simm.s32 @p0 $0x1  }
0x13: {  	[smem:$0x3FB5] =	sst s0;
	s0 =	simm.s32 @!p1 $0x0  }
0x14: {  	s2 =	sld [smem:$0x3F99];
	s0 =	simm.s32 @p1 $0x1  }
0x15: {  	[smem:$0x3FB6] =	sst s0;
	s0 =	simm.s32 @!p2 $0x0  }
0x16: {  	s3 =	sld [smem:$0x3FDB];
	s0 =	simm.s32 @p2 $0x1  }
0x17: {  	s4 =	simm.s32 $0x1BF5;
	[smem:$0x3FB8] =	sst s0  }
0x18: {  	s0 =	sld [smem:$0x3F9B];
	_ =	swait.ge [sflag:s4], $0x0  }
0x19: {  	s7 =	sld [smem:$0x3F9C]  }
0x1a: {  	s8 =	sadd.s32 $0xFFFFE003, lr  }
0x1b: {  	s9 =	sadd.s32 $0xFFFFFEF7, lr;
	s5 =	simm.s32 $0xFFFFFFFF;
	p2 =	slt.u32 s8, $0xFFFFF086  }
0x1c: {  	p1 =	slt.u32 s9, $0xF7A;
	s5 =	simm.s32 @!p2 $0x0  }
0x1d: {  	s5 =	simm.s32 @p1 $0x1;
	p0 =	seq.s32 s7, s2  }
0x1e: {  	s7 =	smul.u32 @!p0 $0xF7A, s2;
	p2 =	seq.s32 @!p0 s5, $0x0  }
0x1f: {  	s9 =	smul.u32 $0xF7A, s1;
	s8 =	simm.s32 @!p0 $0x1BF5;
	p2 =	por !p2, p0  }
0x20: {  	[sflag:s8] =	ssyncset.s32 @!p0 $0xFFFFF086;
	s6 =	sadd.s32 @!p0 s3, s7;
	s7 =	simm.s32 @!p0 $0x108  }
0x21: {  	s3 =	sadd.s32 s3, s9;
	s6 =	sadd.s32 @!p0 $0x88, s6;
	s7 =	simm.s32 @p2 $0x1082  }
0x22: {  	[simem:s7], [sflag:s8] =	dma.local @!p0 [hbm:s6], $0xF7A  }
0x23: {  	s9 =	sor.u32 $0xD0000000, s2;
	s6 =	simm.s32 $0x108;
	_ =	swait.ge @!p0 [sflag:s8], $0x0  }
0x24: {  	s3 =	sadd.s32 $0x88, s3;
	s6 =	simm.s32 @!p1 $0x1082;
	[sflag:s4] =	ssyncset.s32 $0xFFFFF086  }
0x25: {  	[simem:s6], [sflag:s4] =	dma.local [hbm:s3], $0xF7A  }
0x26: {  	[smem:$0x3F9C] =	sst s1;
	(tag) =	ssettag s2;
	_ =	strace s9  }
0x27: {  	s1 =	sld [smem:$0x3FAC]  }
0x28: {  	s2 =	sld [smem:$0x3FAD]  }
0x29: {  	s4 =	sld [smem:$0x3FAF]  }
0x2a: {  	p0 =	seq.s32 s5, $0x0;
	s5 =	sld [smem:$0x3FB0]  }
0x2b: {  	s6 =	sld [smem:$0x3FB1]  }
0x2c: {  	s7 =	sld [smem:$0x3FB2]  }
0x2d: {  	s3 =	simm.s32 $0x108;
	s8 =	sld [smem:$0x3FB3]  }
0x2e: {  	s3 =	simm.s32 @!p0 $0x1082;
	s9 =	sld [smem:$0x3FB4]  }
0x2f: {  	lr =	sadd.s32 s0, s3;
	s0 =	sld [smem:$0x3FAB]  }
0x30: {  	s3 =	sld [smem:$0x3FAE]  }
0x31: {  	[smem:$0x3FB7] =	sst s10  }
0x32: {  	s10 =	sld [smem:$0x3FB5];
	_ =	sdelay $0x3  }
0x33: {  	p0 =	seq.s32 s10, $0x1;
	s10 =	sld [smem:$0x3FB7];
	_ =	sdelay $0x3  }
0x34: {  	[smem:$0x3FB7] =	sst s10  }
0x35: {  	s10 =	sld [smem:$0x3FB6];
	_ =	sdelay $0x3  }
0x36: {  	p1 =	seq.s32 s10, $0x1;
	s10 =	sld [smem:$0x3FB7];
	_ =	sdelay $0x3  }
0x37: {  	[smem:$0x3FB7] =	sst s10  }
0x38: {  	s10 =	sld [smem:$0x3FB8]  }
0x39: {  	_ = 	snop;
	(pc) =	sbr.ind lr, $3  }
0x3a: {  	_ = 	snop  }
0x3b: {  	_ = 	snop  }
0x3c: {  	p2 =	seq.s32 s10, $0x1;
	s10 =	sld [smem:$0x3FB7]  }
0x3d: {  	_ =	shalt  }
0x3e: {  	_ =	shalt  }
0x3f: {  	_ =	shalt  }
0x40: {  	_ =	shalt  }
0x41: {  	_ =	shalt  }
0x42: {  	_ =	shalt  }
0x43: {  	_ =	shalt  }
0x44: {  	_ =	shalt  }
0x45: {  	_ =	shalt  }
0x46: {  	_ =	shalt  }
0x47: {  	_ =	shalt  }
0x48: {  	_ =	shalt  }
0x49: {  	_ =	shalt  }
0x4a: {  	_ =	shalt  }
0x4b: {  	_ =	shalt  }
0x4c: {  	_ =	shalt  }
0x4d: {  	_ =	shalt  }
0x4e: {  	_ =	shalt  }
0x4f: {  	_ =	shalt  }
0x50: {  	_ =	shalt  }
0x51: {  	_ =	shalt  }
0x52: {  	_ =	shalt  }
0x53: {  	_ =	shalt  }
0x54: {  	_ =	shalt  }
0x55: {  	_ =	shalt  }
0x56: {  	_ =	shalt  }
0x57: {  	_ =	shalt  }
0x58: {  	_ =	shalt  }
0x59: {  	_ =	shalt  }
0x5a: {  	_ =	shalt  }
0x5b: {  	_ =	shalt  }
0x5c: {  	_ =	shalt  }
0x5d: {  	_ =	shalt  }
0x5e: {  	_ =	shalt  }
0x5f: {  	_ =	shalt  }
0x60: {  	_ =	shalt  }
0x61: {  	_ =	shalt  }
0x62: {  	_ =	shalt  }
0x63: {  	_ =	shalt  }
0x64: {  	_ =	shalt  }
0x65: {  	_ =	shalt  }
0x66: {  	_ =	shalt  }
0x67: {  	_ =	shalt  }
0x68: {  	_ =	shalt  }
0x69: {  	_ =	shalt  }
0x6a: {  	_ =	shalt  }
0x6b: {  	_ =	shalt  }
0x6c: {  	_ =	shalt  }
0x6d: {  	_ =	shalt  }
0x6e: {  	_ =	shalt  }
0x6f: {  	_ =	shalt  }
0x70: {  	_ =	shalt  }
0x71: {  	_ =	shalt  }
0x72: {  	_ =	shalt  }
0x73: {  	_ =	shalt  }
0x74: {  	_ =	shalt  }
0x75: {  	_ =	shalt  }
0x76: {  	_ =	shalt  }
0x77: {  	_ =	shalt  }
0x78: {  	_ =	shalt  }
0x79: {  	_ =	shalt  }
0x7a: {  	_ =	shalt  }
0x7b: {  	_ =	shalt  }
0x7c: {  	_ =	shalt  }
0x7d: {  	_ =	shalt  }
0x7e: {  	_ =	shalt  }
0x7f: {  	_ =	shalt  }
0x80: {  	_ =	shalt  }
0x81: {  	_ =	shalt  }
0x82: {  	_ =	shalt  }
0x83: {  	_ =	shalt  }
0x84: {  	_ =	shalt  }
0x85: {  	_ =	shalt  }
0x86: {  	_ =	shalt  }
0x87: {  	_ =	shalt  }
.Lfunc_end0:
.L_simem_size_0:
called_computation.1_lowered:
.L_overlay_start_0:
0x88: {  	s2 =	sld [smem:$0x3FD9]  }
0x89: {  	s3 =	sld [smem:$0x3FFE];
	_ =	sdelay $0x1  }
0x8a: {  	s1 =	srdreg.scid  }
0x8b: {  	s0 =	sand.u32 $0x1, s1  }
0x8c: {  	s14 =	sshll.u32 s0, $0xA;
	s2 =	sadd.s32 s3, s2  }
0x8d: {  	s2 =	sadd.s32 s2, s14  }
0x8e: {  	[smem:$0x3FC3] =	sst s2  }
0x8f: {  	_ = 	snop  }
0x90: {  	s2 =	sld [smem:$0x3FD0];
	_ =	sdelay $0x2  }
0x91: {  	s15 =	simm.s32 $0xA;
	s4 =	simm.s32 $0x10  }
0x92: {  	[smem:s4], [sflag:s15] =	dma.local [hbm:s2], $0x1  }
0x93: {  	_ =	swait.eq [sflag:s15], $0x1  }
0x94: {  	[sflag:s15] =	ssyncset.done $0x0  }
0x95: {  	[sflag:s15] =	ssyncadd.s32 $0xFFFFFFFF  }
0x96: {  	s16 =	sld [smem:$0x12];
	(tm) =	ssettm $0x1  }
0x97: {  	s17 =	sld [smem:$0x3FFB];
	_ =	sdelay $0x3  }
0x98: {  	_ =	strace s17  }
0x99: {  	s3 =	sld [smem:$0x3FFC];
	_ =	sdelay $0x3  }
0x9a: {  	_ =	strace s3  }
0x9b: {  	s3 =	sld [smem:$0x3FFD];
	_ =	sdelay $0x3  }
0x9c: {  	_ =	strace s3  }
0x9d: {  	_ =	strace $0x8FFFFFFF  }
0x9e: {  	s18 =	sld [smem:$0x3FDB];
	_ =	sdelay $0x1  }
0x9f: {  	s19 =	simm.s32 $_scs_section_size  }
0xa0: {  	s5 =	simm.s32 $_size__tile_overlayer_lowered;
	s6 =	simm.s32 $_tile_overlayer_lowered  }
0xa1: {  	s22 =	simm.s32 $0x1BFF;
	s21 =	sshll.u32 s6, $0x1;
	s3 =	sadd.s32 s19, s18  }
0xa2: {  	s7 =	simm.s32 $0x0;
	s20 =	sshll.u32 s5, $0x1;
	s5 =	sadd.s32 s21, s3  }
0xa3: {  	[timem:s7], [sflag:s22] =	dma.local [hbm:s5], s20  }
0xa4: {  	_ =	swait.ge [sflag:s22], s20  }
0xa5: {  	s4 =	ssub.s32 $0x0, s20;
	[sflag:s22] =	ssyncset.done $0x0  }
0xa6: {  	[sflag:s22] =	ssyncadd.s32 s4;
	_ =	sdelay $0x1  }
0xa7: {  	s23 =	simm.s32 $0x1B8B  }
0xa8: {  	_ =	swait.ge [sflag:s23], $0x1  }
0xa9: {  	[sflag:s23] =	ssyncset.done $0x0  }
0xaa: {  	s25 =	simm.s32 $0x1B8E;
	s24 =	sld [smem:$0x3FFE];
	[sflag:s23] =	ssyncadd.s32 $0xFFFFFFFF  }
0xab: {  	s26 =	simm.s32 $execute0_lowered;
	[smem:$0x3FD2] =	sst s25  }
0xac: {  	s5 =	sshll.u32 s26, $0x1;
	_ =	strace $0x80000049;
	[dreg:$0x1] =	wrdreg $0xFFFFFFFF  }
0xad: {  	s28 =	simm.s32 $_size_execute0_lowered;
	s3 =	sadd.s32 s3, s5;
	[dreg:$0x0] =	wrdreg $0x0  }
0xae: {  	s5 =	sshll.u32 s28, $0x1;
	[dreg:$0x2] =	wrdreg s3  }
0xaf: {  	[dreg:$0x3] =	wrdreg s5  }
0xb0: {  	[dreg:$0x4] =	wrdreg $0xC0  }
0xb1: {  	_ =	task [dreg:s7], $0x5FFFF  }
0xb2: {  	[dreg:$0x1] =	wrdreg $0xFFFFFFFF  }
0xb3: {  	[dreg:$0x0] =	wrdreg $0x60  }
0xb4: {  	[dreg:$0x2] =	wrdreg s24  }
0xb5: {  	[dreg:$0x3] =	wrdreg s16  }
0xb6: {  	[dreg:$0x4] =	wrdreg $0x9  }
0xb7: {  	_ =	task.clear_ibuf [dreg:s7], $0x5FFFF;
	_ =	strace $0x90000049  }
0xb8: {  	s29 =	simm.s32 $0x9;
	_ =	strace $0x8000004B  }
0xb9: {  	_ =	swait.ge [sflag:s29], $0x1  }
0xba: {  	[sflag:s29] =	ssyncadd.s32 $0xFFFFFFFF  }
0xbb: {  	_ =	strace $0x9000004B  }
0xbc: {  	_ =	sfence  }
0xbd: {  	s30 =	sld [smem:$0x0];
	_ =	sdelay $0x2  }
0xbe: {  	s31 =	sshll.u32 s1, $0xD;
	s1 =	sshrl.u32 s1, $0x2  }
0xbf: {  	s3 =	sand.u32 $0x4000, s31;
	s1 =	sadd.s32 s1, s30  }
0xc0: {  	s0 =	sor.u32 s3, s0;
	s1 =	sshll.u32 s1, $0x11  }
0xc1: {  	s0 =	sor.u32 s1, s0  }
0xc2: {  	s0 =	sadd.s32 $0x8F2B, s0  }
0xc3: {  	[sflag:s0] =	ssyncadd.remote.s32 $0x1  }
0xc4: {  	_ =	sfence.sel $0xFFFF  }
0xc5: {  	[dreg:$0x0] =	wrdreg $0xFFFFFFFF;
	(pc) =	sbr.abs _section_cstart, $3  }
0xc6: {  	[dreg:$0x1] =	wrdreg $0xFFFFFFFF  }
0xc7: {  	_ =	task.clear_ibuf [dreg:s7], $0x2FFFF;
	_ =	strace $0x9FFFFFFF  }
0xc8: {  	(tm) =	ssettm $0x7FFFFFFF  }
0xc9: {  	_ =	shalt  }
tec
execute0_lowered:
.L_overlay_start_1:
0x0: {  	(tag) =	ssettag $0x1  }
0x1: {  	s1 =	srdreg.scid;
	s0 =	stileid.u32  }
0x2: {  	s18 =	sand.u32 $0x1, s1;
	s31 =	sshll.u32 s0, $0x1  }
0x3: {  	s7 =	rddreg [dreg:$0x0];
	s6 =	sor.u32 s18, s31  }
0x4: {  	s5 =	rddreg [dreg:$0x1];
	s2 =	simm.s32 $0x0;
	s3 =	smul.u32 $0x280, s6  }
0x5: {  	s4 =	simm.s32 $0x2;
	[smem:$0x7FF] =	sst s2  }
0x6: {  	s1 =	rddreg [dreg:$0x2];
	_ =	strace $0x8000004A;
	s3 =	sadd.s32 s7, s3  }
0x7: {  	[tilespmem:s2], [sflag:$0x2] =	stream.linear.gather [hbm4b:s3+s2], $0x1400, $0x38;
	[tilespmem:$0x1680] =	vst v63  }
0x8: {  	s6 =	smul.u32 $0x50, s6;
	_ =	swait.ge [sflag:s4], $0x1400  }
0x9: {  	[sflag:s4] =	ssyncset.done $0x0  }
0xa: {  	s5 =	sadd.s32 s5, s6;
	s6 =	simm.s32 $0x1400;
	[sflag:s4] =	ssyncadd.s32 $0xFFFFEC00  }
0xb: {  	[tilespmem:s6], [sflag:$0x2] =	stream.linear.gather [hbm4b:s5+s2], $0x280, $0x38;
	[tilespmem:$0x1680] =	vst v63  }
0xc: {  	_ =	swait.ge [sflag:s4], $0x280  }
0xd: {  	[sflag:s4] =	ssyncset.done $0x0  }
0xe: {  	s8 =	simm.s32 $0x80;
	s7 =	sadd.s32 $0x5000, s7;
	[sflag:s4] =	ssyncadd.s32 $0xFFFFFD80  }
0xf: {  	[hbm4b:s7+s8] =	stream.indirect.scatter [tilespmem:s2], [sflag:$0x1], $0x8, s6, s8, $0xb8;
	[tilespmem:$0x1680] =	vst v63  }
0x10: {  	s9 =	simm.s32 $0x1480;
	s10 =	simm.s32 $0x400  }
0x11: {  	[hbm4b:s7+s8] =	stream.indirect.scatter [tilespmem:s10], [sflag:$0x1], $0x8, s9, s8, $0xb8;
	[tilespmem:$0x1680] =	vst v63  }
0x12: {  	s11 =	simm.s32 $0x1500;
	s12 =	simm.s32 $0x800  }
0x13: {  	[hbm4b:s7+s8] =	stream.indirect.scatter [tilespmem:s12], [sflag:$0x1], $0x8, s11, s8, $0xb8;
	[tilespmem:$0x1680] =	vst v63  }
0x14: {  	s13 =	simm.s32 $0x1580;
	s14 =	simm.s32 $0xC00  }
0x15: {  	[hbm4b:s7+s8] =	stream.indirect.scatter [tilespmem:s14], [sflag:$0x1], $0x8, s13, s8, $0xb8;
	[tilespmem:$0x1680] =	vst v63  }
0x16: {  	s15 =	simm.s32 $0x1600;
	s17 =	simm.s32 $0x1000;
	s16 =	simm.s32 $0x1  }
0x17: {  	[hbm4b:s7+s8] =	stream.indirect.scatter [tilespmem:s17], [sflag:$0x1], $0x8, s15, s8, $0xb8;
	[tilespmem:$0x1680] =	vst v63  }
0x18: {  	_ =	swait.ge [sflag:s16], $0x400  }
0x19: {  	[sflag:s16] =	ssyncset.done $0x0  }
0x1a: {  	[sflag:s16] =	ssyncadd.s32 $0xFFFFFC00  }
0x1b: {  	_ =	swait.ge [sflag:s16], $0x400  }
0x1c: {  	s18 =	ssub.s32 $0x2, s18;
	[sflag:s16] =	ssyncset.done $0x0  }
0x1d: {  	s19 =	sshrl.u32 s18, $0x1;
	[sflag:s16] =	ssyncadd.s32 $0xFFFFFC00  }
0x1e: {  	s18 =	ssub.s32 s18, s19;
	_ =	swait.ge [sflag:s16], $0x400  }
0x1f: {  	s18 =	smax.u32 s18, $0x1;
	[sflag:s16] =	ssyncset.done $0x0  }
0x20: {  	p0 =	sne.s32 s18, $0x1;
	[sflag:s16] =	ssyncadd.s32 $0xFFFFFC00  }
.Ltmp0:
0x21: {  	_ =	swait.ge [sflag:s16], $0x400;
	(pc) =	sbr.rel @!p0 .LBB2_2-.Ltmp0, $4  }
0x22: {  	[sflag:s16] =	ssyncset.done $0x0  }
0x23: {  	[sflag:s16] =	ssyncadd.s32 $0xFFFFFC00  }
0x24: {  	_ =	swait.ge [sflag:s16], $0x400  }
0x25: {  	s18 =	sadd.s32 $0xFFFFFFFF, s18;
	[sflag:s16] =	ssyncset.done $0x0  }
.LBB2_1:
0x26: {  	p0 =	sne.s32 s18, $0x1;
	s18 =	sadd.s32 $0xFFFFFFFF, s18;
	[sflag:s16] =	ssyncadd.s32 $0xFFFFFC00  }
0x27: {  	[tilespmem:s2], [sflag:$0x2] =	stream.linear.gather [hbm4b:s3+s2], $0x1400, $0x38;
	[tilespmem:$0x1680] =	vst v63  }
0x28: {  	_ =	swait.ge [sflag:s4], $0x1400  }
0x29: {  	[sflag:s4] =	ssyncset.done $0x0  }
0x2a: {  	[sflag:s4] =	ssyncadd.s32 $0xFFFFEC00  }
0x2b: {  	[tilespmem:s6], [sflag:$0x2] =	stream.linear.gather [hbm4b:s5+s2], $0x280, $0x38;
	[tilespmem:$0x1680] =	vst v63  }
0x2c: {  	_ =	swait.ge [sflag:s4], $0x280  }
0x2d: {  	[sflag:s4] =	ssyncset.done $0x0  }
0x2e: {  	[sflag:s4] =	ssyncadd.s32 $0xFFFFFD80  }
0x2f: {  	[hbm4b:s7+s8] =	stream.indirect.scatter [tilespmem:s2], [sflag:$0x1], $0x8, s6, s8, $0xb8;
	[tilespmem:$0x1680] =	vst v63  }
0x30: {  	_ = 	snop  }
0x31: {  	[hbm4b:s7+s8] =	stream.indirect.scatter [tilespmem:s10], [sflag:$0x1], $0x8, s9, s8, $0xb8;
	[tilespmem:$0x1680] =	vst v63  }
0x32: {  	_ = 	snop  }
0x33: {  	[hbm4b:s7+s8] =	stream.indirect.scatter [tilespmem:s12], [sflag:$0x1], $0x8, s11, s8, $0xb8;
	[tilespmem:$0x1680] =	vst v63  }
0x34: {  	_ = 	snop  }
0x35: {  	[hbm4b:s7+s8] =	stream.indirect.scatter [tilespmem:s14], [sflag:$0x1], $0x8, s13, s8, $0xb8;
	[tilespmem:$0x1680] =	vst v63  }
0x36: {  	_ = 	snop  }
0x37: {  	[hbm4b:s7+s8] =	stream.indirect.scatter [tilespmem:s17], [sflag:$0x1], $0x8, s15, s8, $0xb8;
	[tilespmem:$0x1680] =	vst v63  }
0x38: {  	_ =	swait.ge [sflag:s16], $0x400  }
0x39: {  	[sflag:s16] =	ssyncset.done $0x0  }
0x3a: {  	[sflag:s16] =	ssyncadd.s32 $0xFFFFFC00  }
0x3b: {  	_ =	swait.ge [sflag:s16], $0x400  }
0x3c: {  	[sflag:s16] =	ssyncset.done $0x0  }
0x3d: {  	[sflag:s16] =	ssyncadd.s32 $0xFFFFFC00  }
0x3e: {  	_ =	swait.ge [sflag:s16], $0x400  }
0x3f: {  	[sflag:s16] =	ssyncset.done $0x0  }
0x40: {  	[sflag:s16] =	ssyncadd.s32 $0xFFFFFC00  }
.Ltmp1:
0x41: {  	_ =	swait.ge [sflag:s16], $0x400;
	(pc) =	sbr.rel @p0 .LBB2_1-.Ltmp1, $4  }
0x42: {  	[sflag:s16] =	ssyncset.done $0x0  }
0x43: {  	[sflag:s16] =	ssyncadd.s32 $0xFFFFFC00  }
0x44: {  	_ =	swait.ge [sflag:s16], $0x400  }
0x45: {  	[sflag:s16] =	ssyncset.done $0x0  }
.LBB2_2:
0x46: {  	[sflag:s16] =	ssyncadd.s32 $0xFFFFFC00  }
0x47: {  	_ =	sfence.sel $0x180000  }
0x48: {  	[bflag:$0x0] =	sbarrier.arrive $0xFFFF  }
0x49: {  	p0 =	sne.s32 s0, $0x0;
	_ =	strace $0x9000004A  }
0x4a: {  	s0 =	sadd.s32 @!p0 $0x100000, s1;
	[bflag:$0x2] =	sbarrier.arrive $0xFFFF  }
0x4b: {  	[sflag:s0] =	ssyncadd.tile.s32 @!p0 $0x1;
	_ =	shalt  }
.Lfunc_end2:
_tile_overlayer_lowered:
.L_overlay_start_2:
0x4c: {  	(tag) =	ssettag $0x2  }
0x4d: {  	s0 =	rddreg [dreg:$0x0];
	s2 =	stileid.u32  }
0x4e: {  	s1 =	rddreg [dreg:$0x1];
	p0 =	sne.s32 s2, $0x0  }
0x4f: {  	s3 =	rddreg [dreg:$0x2];
	[bflag:$0x3] =	sbarrier.arrive $0xFFFF;
	s2 =	simm.s32 @!p0 $0x1C02  }
0x50: {  	[timem:s3], [sflag:s2] =	dma.local @!p0 [hbm:s0], s1  }
0x51: {  	s0 =	simm.s32 @!p0 $0x2  }
0x52: {  	_ =	swait.ge @!p0 [sflag:s0], s1  }
0x53: {  	s1 =	ssub.s32 @!p0 $0x0, s1;
	[sflag:s0] =	ssyncset.done @!p0 $0x0  }
0x54: {  	[sflag:s0] =	ssyncadd.s32 @!p0 s1  }
0x55: {  	[bflag:$0x3] =	sbarrier.arrive $0xFFFF  }
0x56: {  	_ =	shalt  }

</sc_bundles>
